<compile_context>
chip_gen: v7x
topology: tpu7x:2x2x1
jax: 0.10.2.dev20260603
libtpu: 0.0.44.dev20260713+nightly
codegen_flags: <defaults>
</compile_context>

<pallas_src>
import jax
import jax.numpy as jnp
import numpy as np
from jax import lax
from jax.experimental import pallas as pl
from jax.experimental.pallas import tpu as pltpu
from jax.experimental.pallas import tpu_sc as plsc

_z = np.random.RandomState(0).randn(1_000_000)
_silu_np = _z / (1.0 + np.exp(-_z))
_SILU_CST = float(1.0 / np.sqrt(np.mean(_silu_np ** 2)))

_N = 10000
_E = 320000
_D = 128
_DH = 64
_DS = 16
_FH = 64
_INV_SQRT_DS = 1.0 / np.sqrt(float(_DS))
_INV_SQRT_FH = 1.0 / np.sqrt(float(_FH))
_INV_SQRT_D = 1.0 / np.sqrt(float(_D))
_INV_SQRT_NB = 1.0 / np.sqrt(32.0)

_NC = 2
_NS = 16
_E_PER_SUB = _E // _NS
_CHUNK = 80
_NCHUNKS = _E_PER_SUB // _CHUNK
_N_PAD = 10240
_ROWS_PER_SUB = _N_PAD // _NS



_BE = 2000
_BCH = _BE // _CHUNK
_GJ = _E_PER_SUB // _BE


def _edge_mlp_body(es_ref, ea_ref, w0_ref, w1_ref, out_ref):
    h = jnp.dot(es_ref[...], w0_ref[...] * _INV_SQRT_DS,
                preferred_element_type=jnp.float32)
    h = jax.nn.silu(h) * _SILU_CST
    ea = ea_ref[...] * _INV_SQRT_NB
    w0 = jnp.dot(h, w1_ref[0] * _INV_SQRT_FH,
                 preferred_element_type=jnp.float32) * ea
    w1 = jnp.dot(h, w1_ref[1] * _INV_SQRT_FH,
                 preferred_element_type=jnp.float32) * ea
    out_ref[0, 0] = w0.reshape(_BCH, _CHUNK, _DH)
    out_ref[1, 0] = w1.reshape(_BCH, _CHUNK, _DH)


def _edge_mlp(edge_scalars, edge_attr, fc_w0, fc_w1_halves):
    return pl.pallas_call(
        _edge_mlp_body,
        grid=(_NS, _GJ),
        in_specs=[
            pl.BlockSpec((_BE, _DS), lambda s, j: (s * _GJ + j, 0)),
            pl.BlockSpec((_BE, 1), lambda s, j: (s * _GJ + j, 0)),
            pl.BlockSpec((_DS, _FH), lambda s, j: (0, 0)),
            pl.BlockSpec((_NC, _FH, _DH), lambda s, j: (0, 0, 0)),
        ],
        out_specs=pl.BlockSpec((_NC, 1, _BCH, _CHUNK, _DH),
                               lambda s, j: (0, s, j, 0, 0)),
        out_shape=jax.ShapeDtypeStruct((_NC, _NS, _NCHUNKS, _CHUNK, _DH),
                                       jnp.float32),
    )(edge_scalars, edge_attr, fc_w0, fc_w1_halves)


def _node_lin_body(nf_ref, na_ref, w_ref, out_ref):
    xf = jnp.dot(nf_ref[...], w_ref[0], preferred_element_type=jnp.float32)
    out_ref[...] = xf * na_ref[...] * _INV_SQRT_D


def _node_lin(node_features, node_attr, W_lin1_halves):
    bn = 2000
    gi = _N // bn
    return pl.pallas_call(
        _node_lin_body,
        grid=(_NC, gi),
        in_specs=[
            pl.BlockSpec((bn, _D), lambda c, i: (i, 0)),
            pl.BlockSpec((bn, 1), lambda c, i: (i, 0)),
            pl.BlockSpec((1, _D, _DH), lambda c, i: (c, 0, 0)),
        ],
        out_specs=pl.BlockSpec((bn, _DH), lambda c, i: (c * gi + i, 0)),
        out_shape=jax.ShapeDtypeStruct((_NC * _N, _DH), jnp.float32),
    )(node_features, node_attr, W_lin1_halves)


def _final_body(nf_ref, na_ref, p_ref, wsc_ref, wl2_ref, wal_ref, out_ref):
    na = na_ref[...]
    p0 = p_ref[0]
    p1 = p_ref[1]
    nsc = jnp.dot(nf_ref[...], wsc_ref[...],
                  preferred_element_type=jnp.float32) * na * _INV_SQRT_D
    wl2 = wl2_ref[...]
    nco = (jnp.dot(p0, wl2[:_DH, :], preferred_element_type=jnp.float32)
           + jnp.dot(p1, wl2[_DH:, :], preferred_element_type=jnp.float32))
    nco = nco * na * _INV_SQRT_D
    wal = wal_ref[...]
    alpha = (jnp.dot(p0, wal[:_DH, :], preferred_element_type=jnp.float32)
             + jnp.dot(p1, wal[_DH:, :], preferred_element_type=jnp.float32))
    alpha = alpha * na * _INV_SQRT_D
    out_ref[...] = jax.nn.silu(nsc + alpha * nco) * _SILU_CST


def _final(node_features, node_attr, parts, W_sc, W_lin2, W_alpha):
    bn = 2000
    grid = _N // bn
    return pl.pallas_call(
        _final_body,
        grid=(grid,),
        in_specs=[
            pl.BlockSpec((bn, _D), lambda i: (i, 0)),
            pl.BlockSpec((bn, 1), lambda i: (i, 0)),
            pl.BlockSpec((_NC, bn, _DH), lambda i: (0, i, 0)),
            pl.BlockSpec((_D, _D), lambda i: (0, 0)),
            pl.BlockSpec((_D, _D), lambda i: (0, 0)),
            pl.BlockSpec((_D, 1), lambda i: (0, 0)),
        ],
        out_specs=pl.BlockSpec((bn, _D), lambda i: (i, 0)),
        out_shape=jax.ShapeDtypeStruct((_N, _D), jnp.float32),
    )(node_features, node_attr, parts, W_sc, W_lin2, W_alpha)



_NBUF = 2


def _sc_body(xf_hbm, w_hbm, src_hbm, dst_hbm, out_hbm,
             src_v, dst_v, rows_v, wchunk_v, zrow_v, agg_sh,
             sg0, sg1, sw0, sw1):
    cid = lax.axis_index("c")
    sid = lax.axis_index("s")
    sg = (sg0, sg1)
    sw = (sw0, sw1)

    pltpu.sync_copy(src_hbm.at[sid], src_v)
    pltpu.sync_copy(dst_hbm.at[sid], dst_v)

    off = cid * _N

    def off_body(c, carry):
        for j in range(_CHUNK // 16):
            sl = pl.ds(j * 16, 16)
            src_v[c, sl] = src_v[c, sl] + off
        return carry

    lax.fori_loop(0, _NCHUNKS, off_body, 0)

    for b in range(_NBUF):
        pltpu.async_copy(xf_hbm.at[src_v.at[b]], rows_v.at[b], sg[b])
        pltpu.async_copy(w_hbm.at[cid, sid, b], wchunk_v.at[b], sw[b])

    def z_body(e, carry):
        for j in range(_DH // 16):
            zrow_v[e, pl.ds(j * 16, 16)] = jnp.zeros((16,), jnp.float32)
        return carry

    lax.fori_loop(0, _CHUNK, z_body, 0)
    row0 = sid * _ROWS_PER_SUB
    for k in range(_ROWS_PER_SUB // _CHUNK):
        pltpu.sync_copy(zrow_v, agg_sh.at[pl.ds(row0 + k * _CHUNK, _CHUNK)])
    plsc.subcore_barrier()

    def do_chunk(c, b, prefetch):
        pltpu.make_async_copy(xf_hbm.at[src_v.at[c]], rows_v.at[b],
                              sg[b]).wait()
        pltpu.make_async_copy(w_hbm.at[cid, sid, c], wchunk_v.at[b],
                              sw[b]).wait()

        def mul_body(e, carry2):
            for j in range(_DH // 16):
                sl = pl.ds(j * 16, 16)
                rows_v[b, e, sl] = rows_v[b, e, sl] * wchunk_v[b, e, sl]
            return carry2

        lax.fori_loop(0, _CHUNK, mul_body, 0)

        pltpu.sync_copy(rows_v.at[b], agg_sh.at[dst_v.at[c]], add=True)

        if prefetch:
            nxt = c + _NBUF
            pltpu.async_copy(xf_hbm.at[src_v.at[nxt]], rows_v.at[b], sg[b])
            pltpu.async_copy(w_hbm.at[cid, sid, nxt], wchunk_v.at[b], sw[b])

    def chunk_body(g, carry):
        c0 = g * _NBUF
        for b in range(_NBUF):
            do_chunk(c0 + b, b, True)
        return carry

    lax.fori_loop(0, (_NCHUNKS - _NBUF) // _NBUF, chunk_body, 0)
    for b in range(_NBUF):
        do_chunk(_NCHUNKS - _NBUF + b, b, False)
    plsc.subcore_barrier()

    pltpu.sync_copy(agg_sh.at[pl.ds(row0, _ROWS_PER_SUB)],
                    out_hbm.at[cid, pl.ds(row0, _ROWS_PER_SUB)])


def _sc_gather_scatter(xf_flat, w_halves, src3, dst3):
    mesh = plsc.VectorSubcoreMesh(core_axis_name="c", subcore_axis_name="s")
    f = pl.kernel(
        _sc_body,
        out_type=jax.ShapeDtypeStruct((_NC, _N_PAD, _DH), jnp.float32),
        mesh=mesh,
        compiler_params=pltpu.CompilerParams(use_tc_tiling_on_sc=False),
        scratch_types=[
            pltpu.VMEM((_NCHUNKS, _CHUNK), jnp.int32),
            pltpu.VMEM((_NCHUNKS, _CHUNK), jnp.int32),
            pltpu.VMEM((_NBUF, _CHUNK, _DH), jnp.float32),
            pltpu.VMEM((_NBUF, _CHUNK, _DH), jnp.float32),
            pltpu.VMEM((_CHUNK, _DH), jnp.float32),
            pltpu.VMEM_SHARED((_N_PAD, _DH), jnp.float32),
            pltpu.SemaphoreType.DMA,
            pltpu.SemaphoreType.DMA,
            pltpu.SemaphoreType.DMA,
            pltpu.SemaphoreType.DMA,
        ],
    )
    return f(xf_flat, w_halves, src3, dst3)



def kernel(node_features, node_attr, edge_src, edge_dst, edge_attr,
           edge_scalars, W_sc, W_lin1, W_lin2, W_alpha, fc_w0, fc_w1):
    fc_w1_h = jnp.stack([fc_w1[:, :_DH], fc_w1[:, _DH:]], axis=0)
    W_lin1_h = jnp.stack([W_lin1[:, :_DH], W_lin1[:, _DH:]], axis=0)
    w_halves = _edge_mlp(edge_scalars, edge_attr, fc_w0, fc_w1_h)
    xf_flat = _node_lin(node_features, node_attr, W_lin1_h)

    src3 = edge_src.reshape(_NS, _NCHUNKS, _CHUNK)
    dst3 = edge_dst.reshape(_NS, _NCHUNKS, _CHUNK)

    parts = _sc_gather_scatter(xf_flat, w_halves, src3, dst3)
    return _final(node_features, node_attr, parts, W_sc, W_lin2, W_alpha)

# --- scband reference (transcript-rebuilt; emitter-appended) ---
"""Pipeline reference for scband-single-message-passing-1623497638281 (READ-ONLY COPY).

The authoritative reference and input builder live on the scoring server;
editing this copy changes nothing except your own understanding.
"""

import jax, jax.numpy as jnp
import numpy as np

# e3nn normalize2mom constant for SiLU (second-moment normalization)
_z = np.random.RandomState(0).randn(1_000_000)
_silu_np = _z / (1.0 + np.exp(-_z))
SILU_CST = float(1.0 / np.sqrt(np.mean(_silu_np ** 2)))

N_NODES = 10000
N_EDGES = 320000
D_IN = 128          # irreps_node_input = 128x0e
D_OUT = 128         # irreps_node_hidden = 128x0e (all scalar -> gate is normalized silu)
D_EDGE_SCALARS = 16 # fc_neurons[0]
FC_HIDDEN = 64      # fc_neurons[1]
NUM_NEIGHBORS = 32


def setup_inputs(seed: int = 0) -> dict:
    key = jax.random.key(seed)
    ks = jax.random.split(key, 12)
    node_features = jax.random.normal(ks[0], (N_NODES, D_IN), dtype=jnp.float32)
    node_attr = jnp.ones((N_NODES, 1), dtype=jnp.float32)          # 1x0e attr
    edge_src = jax.random.randint(ks[1], (N_EDGES,), 0, N_NODES, dtype=jnp.int32)
    edge_dst = jax.random.randint(ks[2], (N_EDGES,), 0, N_NODES, dtype=jnp.int32)
    edge_attr = jnp.ones((N_EDGES, 1), dtype=jnp.float32)          # Y_0 spherical harmonic (0e) = 1
    edge_scalars = jax.random.normal(ks[3], (N_EDGES, D_EDGE_SCALARS), dtype=jnp.float32)
    # learned parameters (e3nn initializes weights ~ N(0,1); normalization applied in forward)
    W_sc = jax.random.normal(ks[4], (D_IN, D_OUT), dtype=jnp.float32)      # sc: FCTP(in, attr, gate.irreps_in)
    W_lin1 = jax.random.normal(ks[5], (D_IN, D_IN), dtype=jnp.float32)     # lin1: FCTP(in, attr, in)
    W_lin2 = jax.random.normal(ks[6], (D_IN, D_OUT), dtype=jnp.float32)    # lin2: FCTP(mid, attr, out)
    W_alpha = jax.random.normal(ks[7], (D_IN, 1), dtype=jnp.float32)       # alpha: FCTP(mid, attr, 0e)
    fc_w0 = jax.random.normal(ks[8], (D_EDGE_SCALARS, FC_HIDDEN), dtype=jnp.float32)
    fc_w1 = jax.random.normal(ks[9], (FC_HIDDEN, D_IN), dtype=jnp.float32)  # -> tp.weight_numel = 128 (uvu)
    return {
        "node_features": node_features,
        "node_attr": node_attr,
        "edge_src": edge_src,
        "edge_dst": edge_dst,
        "edge_attr": edge_attr,
        "edge_scalars": edge_scalars,
        "W_sc": W_sc,
        "W_lin1": W_lin1,
        "W_lin2": W_lin2,
        "W_alpha": W_alpha,
        "fc_w0": fc_w0,
        "fc_w1": fc_w1,
    }


def reference(node_features, node_attr, edge_src, edge_dst, edge_attr, edge_scalars,
              W_sc, W_lin1, W_lin2, W_alpha, fc_w0, fc_w1):
    silu = jax.nn.silu
    # FullyConnectedNet([16, 64, 128], silu): normalized per e3nn (w / sqrt(fan_in), normalized act)
    h = silu(edge_scalars @ (fc_w0 / jnp.sqrt(float(D_EDGE_SCALARS)))) * SILU_CST
    weight = h @ (fc_w1 / jnp.sqrt(float(FC_HIDDEN)))                 # [E, 128] per-edge tp weights
    # With all-scalar irreps, FullyConnectedTensorProduct(x:0e^N, attr:0e) == (x @ W) * attr / sqrt(fan_in)
    node_self_connection = (node_features @ W_sc) * node_attr / jnp.sqrt(float(D_IN))
    xf = (node_features @ W_lin1) * node_attr / jnp.sqrt(float(D_IN))
    # tp (uvu, external weights): per-edge elementwise product; gather on edge_src (SparseCore gather)
    edge_features = xf[edge_src] * edge_attr * weight                 # [E, 128]
    # scatter-add to dst nodes (SparseCore scatter-add), div sqrt(num_neighbors)
    agg = jnp.zeros((node_features.shape[0], D_IN), dtype=edge_features.dtype).at[edge_dst].add(edge_features)
    agg = agg / jnp.sqrt(float(NUM_NEIGHBORS))
    node_conv_out = (agg @ W_lin2) * node_attr / jnp.sqrt(float(D_IN))
    alpha = (agg @ W_alpha) * node_attr / jnp.sqrt(float(D_IN))       # [N, 1]
    # sc.output_mask == 1 for all outputs here, so alpha = (1-m) + alpha*m = alpha
    out = node_self_connection + alpha * node_conv_out
    # Gate: only scalar irreps -> normalized SiLU activation
    return silu(out) * SILU_CST

if __name__ == "__main__":
    import jax
    _d = setup_inputs()
    print(jax.jit(kernel)(*tuple(_d.values())))

</pallas_src>

<mosaic_0001>
#map = affine_map<(d0, d1) -> (0, 0)>
#map1 = affine_map<(d0, d1) -> (0, 0, 0, 0, 0)>
#map2 = affine_map<(d0, d1) -> (0, 0, 0)>
module attributes {stable_mosaic.version = 14 : i64} {
  func.func @_sc_body(%arg0: i32, %arg1: i32, %arg2: memref<20000x64xf32, #tpu.memory_space<hbm>>, %arg3: memref<2x16x250x80x64xf32, #tpu.memory_space<hbm>>, %arg4: memref<16x250x80xi32, #tpu.memory_space<hbm>>, %arg5: memref<16x250x80xi32, #tpu.memory_space<hbm>>, %arg6: memref<2x10240x64xf32, #tpu.memory_space<hbm>>, %arg7: memref<250x80xi32, #tpu.memory_space<vmem>>, %arg8: memref<250x80xi32, #tpu.memory_space<vmem>>, %arg9: memref<2x80x64xf32, #tpu.memory_space<vmem>>, %arg10: memref<2x80x64xf32, #tpu.memory_space<vmem>>, %arg11: memref<80x64xf32, #tpu.memory_space<vmem>>, %arg12: memref<10240x64xf32, #tpu.memory_space<vmem_shared>>, %arg13: memref<!tpu.dma_semaphore, #tpu.memory_space<semaphore_mem>>, %arg14: memref<!tpu.dma_semaphore, #tpu.memory_space<semaphore_mem>>, %arg15: memref<!tpu.dma_semaphore, #tpu.memory_space<semaphore_mem>>, %arg16: memref<!tpu.dma_semaphore, #tpu.memory_space<semaphore_mem>>) attributes {dimension_semantics = [#tpu.dimension_semantics<core_parallel>, #tpu.dimension_semantics<subcore_parallel>], iteration_bounds = array<i64: 2, 16>, scalar_prefetch = 0 : i64, scratch_operands = 10 : i64, tpu.core_type = #tpu.core_type<sc_vector_subcore>, window_params = [{transform_indices = #map}, {transform_indices = #map1}, {transform_indices = #map2}, {transform_indices = #map2}, {transform_indices = #map2}]} {
    "tpu.region"() ({
      %run_scoped3A_169 = tpu.sem_alloc : memref<!tpu.dma_semaphore, #tpu.memory_space<semaphore_mem>>
      %dma_start3A_170 = arith.constant 0 : i32
      %dma_start3A_171 = arith.constant 0 : i32
      %dma_start3A_172 = tpu.memref_slice %arg4[%arg1, %dma_start3A_170, %dma_start3A_171] : memref<16x250x80xi32, #tpu.memory_space<hbm>> -> memref<1x250x80xi32, #tpu.memory_space<hbm>>
      %dma_start3A_173 = tpu.memref_squeeze %dma_start3A_172 : memref<1x250x80xi32, #tpu.memory_space<hbm>> -> memref<250x80xi32, #tpu.memory_space<hbm>>
      %dma_start3A_174 = arith.constant 0 : i32
      %dma_start3A_175 = arith.constant 0 : i32
      %dma_start3A_176 = tpu.memref_slice %arg4[%arg1, %dma_start3A_174, %dma_start3A_175] : memref<16x250x80xi32, #tpu.memory_space<hbm>> -> memref<1x250x80xi32, #tpu.memory_space<hbm>>
      %dma_start3A_177 = tpu.memref_squeeze %dma_start3A_176 : memref<1x250x80xi32, #tpu.memory_space<hbm>> -> memref<250x80xi32, #tpu.memory_space<hbm>>
      tpu.enqueue_dma source(%dma_start3A_177 : memref<250x80xi32, #tpu.memory_space<hbm>>) target(%arg7 : memref<250x80xi32, #tpu.memory_space<vmem>>) target_semaphore(%run_scoped3A_169 : memref<!tpu.dma_semaphore, #tpu.memory_space<semaphore_mem>>)
      %dma_wait3A_178 = arith.constant 0 : i32
      %dma_wait3A_179 = arith.constant 0 : i32
      %dma_wait3A_180 = tpu.memref_slice %arg4[%arg1, %dma_wait3A_178, %dma_wait3A_179] : memref<16x250x80xi32, #tpu.memory_space<hbm>> -> memref<1x250x80xi32, #tpu.memory_space<hbm>>
      %dma_wait3A_181 = tpu.memref_squeeze %dma_wait3A_180 : memref<1x250x80xi32, #tpu.memory_space<hbm>> -> memref<250x80xi32, #tpu.memory_space<hbm>>
      %dma_wait3A_182 = arith.constant 0 : i32
      %dma_wait3A_183 = arith.constant 0 : i32
      %dma_wait3A_184 = tpu.memref_slice %arg4[%arg1, %dma_wait3A_182, %dma_wait3A_183] : memref<16x250x80xi32, #tpu.memory_space<hbm>> -> memref<1x250x80xi32, #tpu.memory_space<hbm>>
      %dma_wait3A_185 = tpu.memref_squeeze %dma_wait3A_184 : memref<1x250x80xi32, #tpu.memory_space<hbm>> -> memref<250x80xi32, #tpu.memory_space<hbm>>
      tpu.wait_dma2 semaphore(%run_scoped3A_169 : memref<!tpu.dma_semaphore, #tpu.memory_space<semaphore_mem>>) src(%dma_wait3A_185 : memref<250x80xi32, #tpu.memory_space<hbm>>) dst(%arg7 : memref<250x80xi32, #tpu.memory_space<vmem>>)
      tpu.yield
    }) : () -> ()
    "tpu.region"() ({
      %run_scoped3A_169 = tpu.sem_alloc : memref<!tpu.dma_semaphore, #tpu.memory_space<semaphore_mem>>
      %dma_start3A_170 = arith.constant 0 : i32
      %dma_start3A_171 = arith.constant 0 : i32
      %dma_start3A_172 = tpu.memref_slice %arg5[%arg1, %dma_start3A_170, %dma_start3A_171] : memref<16x250x80xi32, #tpu.memory_space<hbm>> -> memref<1x250x80xi32, #tpu.memory_space<hbm>>
      %dma_start3A_173 = tpu.memref_squeeze %dma_start3A_172 : memref<1x250x80xi32, #tpu.memory_space<hbm>> -> memref<250x80xi32, #tpu.memory_space<hbm>>
      %dma_start3A_174 = arith.constant 0 : i32
      %dma_start3A_175 = arith.constant 0 : i32
      %dma_start3A_176 = tpu.memref_slice %arg5[%arg1, %dma_start3A_174, %dma_start3A_175] : memref<16x250x80xi32, #tpu.memory_space<hbm>> -> memref<1x250x80xi32, #tpu.memory_space<hbm>>
      %dma_start3A_177 = tpu.memref_squeeze %dma_start3A_176 : memref<1x250x80xi32, #tpu.memory_space<hbm>> -> memref<250x80xi32, #tpu.memory_space<hbm>>
      tpu.enqueue_dma source(%dma_start3A_177 : memref<250x80xi32, #tpu.memory_space<hbm>>) target(%arg8 : memref<250x80xi32, #tpu.memory_space<vmem>>) target_semaphore(%run_scoped3A_169 : memref<!tpu.dma_semaphore, #tpu.memory_space<semaphore_mem>>)
      %dma_wait3A_178 = arith.constant 0 : i32
      %dma_wait3A_179 = arith.constant 0 : i32
      %dma_wait3A_180 = tpu.memref_slice %arg5[%arg1, %dma_wait3A_178, %dma_wait3A_179] : memref<16x250x80xi32, #tpu.memory_space<hbm>> -> memref<1x250x80xi32, #tpu.memory_space<hbm>>
      %dma_wait3A_181 = tpu.memref_squeeze %dma_wait3A_180 : memref<1x250x80xi32, #tpu.memory_space<hbm>> -> memref<250x80xi32, #tpu.memory_space<hbm>>
      %dma_wait3A_182 = arith.constant 0 : i32
      %dma_wait3A_183 = arith.constant 0 : i32
      %dma_wait3A_184 = tpu.memref_slice %arg5[%arg1, %dma_wait3A_182, %dma_wait3A_183] : memref<16x250x80xi32, #tpu.memory_space<hbm>> -> memref<1x250x80xi32, #tpu.memory_space<hbm>>
      %dma_wait3A_185 = tpu.memref_squeeze %dma_wait3A_184 : memref<1x250x80xi32, #tpu.memory_space<hbm>> -> memref<250x80xi32, #tpu.memory_space<hbm>>
      tpu.wait_dma2 semaphore(%run_scoped3A_169 : memref<!tpu.dma_semaphore, #tpu.memory_space<semaphore_mem>>) src(%dma_wait3A_185 : memref<250x80xi32, #tpu.memory_space<hbm>>) dst(%arg8 : memref<250x80xi32, #tpu.memory_space<vmem>>)
      tpu.yield
    }) : () -> ()
    %mul3A = arith.constant 10000 : i32
    %mul3A_0 = arith.muli %arg0, %mul3A : i32
    %scan3A = arith.constant 0 : i32
    %scan3A_1 = arith.constant 0 : i32
    %scan3A_2 = arith.constant 250 : i32
    %scan3A_3 = arith.addi %scan3A_1, %scan3A_2 : i32
    %scan3A_4 = arith.constant 1 : i32
    scf.for %scan3A_169 = %scan3A_1 to %scan3A_3 step %scan3A_4  : i32 {
      %get3A = arith.index_cast %scan3A_169 : i32 to index
      %get3A_170 = arith.constant 0 : index
      %get3A_171 = tpu.vector_load %arg7[%get3A, %get3A_170] {strides = array<i32>} : memref<250x80xi32, #tpu.memory_space<vmem>>, vector<1x16xi32>,
      %get3A_172 = vector.shape_cast %get3A_171 : vector<1x16xi32> to vector<16xi32>
      %add3A_173 = vector.broadcast %mul3A_0 : i32 to vector<16xi32>
      %add3A_174 = arith.addi %get3A_172, %add3A_173 : vector<16xi32>
      %swap3A = arith.index_cast %scan3A_169 : i32 to index
      %swap3A_175 = arith.constant 0 : index
      %swap3A_176 = tpu.vector_load %arg7[%swap3A, %swap3A_175] {strides = array<i32>} : memref<250x80xi32, #tpu.memory_space<vmem>>, vector<1x16xi32>,
      %swap3A_177 = vector.shape_cast %swap3A_176 : vector<1x16xi32> to vector<16xi32>
      %swap3A_178 = vector.shape_cast %add3A_174 : vector<16xi32> to vector<1x16xi32>
      tpu.vector_store %arg7[%swap3A, %swap3A_175], %swap3A_178 {strides = array<i32>} : memref<250x80xi32, #tpu.memory_space<vmem>>, vector<1x16xi32>,
      %get3A_179 = arith.index_cast %scan3A_169 : i32 to index
      %get3A_180 = arith.constant 16 : index
      %get3A_181 = tpu.vector_load %arg7[%get3A_179, %get3A_180] {strides = array<i32>} : memref<250x80xi32, #tpu.memory_space<vmem>>, vector<1x16xi32>,
      %get3A_182 = vector.shape_cast %get3A_181 : vector<1x16xi32> to vector<16xi32>
      %add3A_183 = vector.broadcast %mul3A_0 : i32 to vector<16xi32>
      %add3A_184 = arith.addi %get3A_182, %add3A_183 : vector<16xi32>
      %swap3A_185 = arith.index_cast %scan3A_169 : i32 to index
      %swap3A_186 = arith.constant 16 : index
      %swap3A_187 = tpu.vector_load %arg7[%swap3A_185, %swap3A_186] {strides = array<i32>} : memref<250x80xi32, #tpu.memory_space<vmem>>, vector<1x16xi32>,
      %swap3A_188 = vector.shape_cast %swap3A_187 : vector<1x16xi32> to vector<16xi32>
      %swap3A_189 = vector.shape_cast %add3A_184 : vector<16xi32> to vector<1x16xi32>
      tpu.vector_store %arg7[%swap3A_185, %swap3A_186], %swap3A_189 {strides = array<i32>} : memref<250x80xi32, #tpu.memory_space<vmem>>, vector<1x16xi32>,
      %get3A_190 = arith.index_cast %scan3A_169 : i32 to index
      %get3A_191 = arith.constant 32 : index
      %get3A_192 = tpu.vector_load %arg7[%get3A_190, %get3A_191] {strides = array<i32>} : memref<250x80xi32, #tpu.memory_space<vmem>>, vector<1x16xi32>,
      %get3A_193 = vector.shape_cast %get3A_192 : vector<1x16xi32> to vector<16xi32>
      %add3A_194 = vector.broadcast %mul3A_0 : i32 to vector<16xi32>
      %add3A_195 = arith.addi %get3A_193, %add3A_194 : vector<16xi32>
      %swap3A_196 = arith.index_cast %scan3A_169 : i32 to index
      %swap3A_197 = arith.constant 32 : index
      %swap3A_198 = tpu.vector_load %arg7[%swap3A_196, %swap3A_197] {strides = array<i32>} : memref<250x80xi32, #tpu.memory_space<vmem>>, vector<1x16xi32>,
      %swap3A_199 = vector.shape_cast %swap3A_198 : vector<1x16xi32> to vector<16xi32>
      %swap3A_200 = vector.shape_cast %add3A_195 : vector<16xi32> to vector<1x16xi32>
      tpu.vector_store %arg7[%swap3A_196, %swap3A_197], %swap3A_200 {strides = array<i32>} : memref<250x80xi32, #tpu.memory_space<vmem>>, vector<1x16xi32>,
      %get3A_201 = arith.index_cast %scan3A_169 : i32 to index
      %get3A_202 = arith.constant 48 : index
      %get3A_203 = tpu.vector_load %arg7[%get3A_201, %get3A_202] {strides = array<i32>} : memref<250x80xi32, #tpu.memory_space<vmem>>, vector<1x16xi32>,
      %get3A_204 = vector.shape_cast %get3A_203 : vector<1x16xi32> to vector<16xi32>
      %add3A_205 = vector.broadcast %mul3A_0 : i32 to vector<16xi32>
      %add3A_206 = arith.addi %get3A_204, %add3A_205 : vector<16xi32>
      %swap3A_207 = arith.index_cast %scan3A_169 : i32 to index
      %swap3A_208 = arith.constant 48 : index
      %swap3A_209 = tpu.vector_load %arg7[%swap3A_207, %swap3A_208] {strides = array<i32>} : memref<250x80xi32, #tpu.memory_space<vmem>>, vector<1x16xi32>,
      %swap3A_210 = vector.shape_cast %swap3A_209 : vector<1x16xi32> to vector<16xi32>
      %swap3A_211 = vector.shape_cast %add3A_206 : vector<16xi32> to vector<1x16xi32>
      tpu.vector_store %arg7[%swap3A_207, %swap3A_208], %swap3A_211 {strides = array<i32>} : memref<250x80xi32, #tpu.memory_space<vmem>>, vector<1x16xi32>,
      %get3A_212 = arith.index_cast %scan3A_169 : i32 to index
      %get3A_213 = arith.constant 64 : index
      %get3A_214 = tpu.vector_load %arg7[%get3A_212, %get3A_213] {strides = array<i32>} : memref<250x80xi32, #tpu.memory_space<vmem>>, vector<1x16xi32>,
      %get3A_215 = vector.shape_cast %get3A_214 : vector<1x16xi32> to vector<16xi32>
      %add3A_216 = vector.broadcast %mul3A_0 : i32 to vector<16xi32>
      %add3A_217 = arith.addi %get3A_215, %add3A_216 : vector<16xi32>
      %swap3A_218 = arith.index_cast %scan3A_169 : i32 to index
      %swap3A_219 = arith.constant 64 : index
      %swap3A_220 = tpu.vector_load %arg7[%swap3A_218, %swap3A_219] {strides = array<i32>} : memref<250x80xi32, #tpu.memory_space<vmem>>, vector<1x16xi32>,
      %swap3A_221 = vector.shape_cast %swap3A_220 : vector<1x16xi32> to vector<16xi32>
      %swap3A_222 = vector.shape_cast %add3A_217 : vector<16xi32> to vector<1x16xi32>
      tpu.vector_store %arg7[%swap3A_218, %swap3A_219], %swap3A_222 {strides = array<i32>} : memref<250x80xi32, #tpu.memory_space<vmem>>, vector<1x16xi32>,
    }
    %scan3A_5 = arith.constant 250 : i32
    %dma_start3A = arith.constant 0 : i32
    %dma_start3A_6 = arith.constant 0 : i32
    %dma_start3A_7 = arith.constant 0 : i32
    %dma_start3A_8 = arith.constant 0 : i32
    %dma_start3A_9 = tpu.memref_slice %arg9[%dma_start3A_6, %dma_start3A_7, %dma_start3A_8] : memref<2x80x64xf32, #tpu.memory_space<vmem>> -> memref<1x80x64xf32, #tpu.memory_space<vmem>>
    %dma_start3A_10 = tpu.memref_squeeze %dma_start3A_9 : memref<1x80x64xf32, #tpu.memory_space<vmem>> -> memref<80x64xf32, #tpu.memory_space<vmem>>
    %dma_start3A_11 = arith.constant 0 : i32
    %dma_start3A_12 = tpu.memref_slice %arg7[%dma_start3A, %dma_start3A_11] : memref<250x80xi32, #tpu.memory_space<vmem>> -> memref<1x80xi32, #tpu.memory_space<vmem>>
    %dma_start3A_13 = tpu.memref_squeeze %dma_start3A_12 : memref<1x80xi32, #tpu.memory_space<vmem>> -> memref<80xi32, #tpu.memory_space<vmem>>
    %dma_start3A_14 = arith.constant 0 : i32
    %dma_start3A_15 = arith.constant 0 : i32
    %dma_start3A_16 = tpu.memref_slice %arg2[%dma_start3A_14, %dma_start3A_15] : memref<20000x64xf32, #tpu.memory_space<hbm>> -> memref<20000x64xf32, #tpu.memory_space<hbm>>
    tpu.enqueue_indirect_dma source(%dma_start3A_16 : memref<20000x64xf32, #tpu.memory_space<hbm>>) target(%dma_start3A_10 : memref<80x64xf32, #tpu.memory_space<vmem>>) offsets(%dma_start3A_13 : memref<80xi32, #tpu.memory_space<vmem>>) semaphore(%arg13 : memref<!tpu.dma_semaphore, #tpu.memory_space<semaphore_mem>>)
    %dma_start3A_17 = arith.constant 0 : i32
    %dma_start3A_18 = arith.constant 0 : i32
    %dma_start3A_19 = arith.constant 0 : i32
    %dma_start3A_20 = arith.constant 0 : i32
    %dma_start3A_21 = tpu.memref_slice %arg10[%dma_start3A_18, %dma_start3A_19, %dma_start3A_20] : memref<2x80x64xf32, #tpu.memory_space<vmem>> -> memref<1x80x64xf32, #tpu.memory_space<vmem>>
    %dma_start3A_22 = tpu.memref_squeeze %dma_start3A_21 : memref<1x80x64xf32, #tpu.memory_space<vmem>> -> memref<80x64xf32, #tpu.memory_space<vmem>>
    %dma_start3A_23 = arith.constant 0 : i32
    %dma_start3A_24 = arith.constant 0 : i32
    %dma_start3A_25 = tpu.memref_slice %arg3[%arg0, %arg1, %dma_start3A_17, %dma_start3A_23, %dma_start3A_24] : memref<2x16x250x80x64xf32, #tpu.memory_space<hbm>> -> memref<1x1x1x80x64xf32, #tpu.memory_space<hbm>>
    %dma_start3A_26 = tpu.memref_squeeze %dma_start3A_25 : memref<1x1x1x80x64xf32, #tpu.memory_space<hbm>> -> memref<80x64xf32, #tpu.memory_space<hbm>>
    %dma_start3A_27 = arith.constant 0 : i32
    %dma_start3A_28 = arith.constant 0 : i32
    %dma_start3A_29 = tpu.memref_slice %arg10[%dma_start3A_18, %dma_start3A_27, %dma_start3A_28] : memref<2x80x64xf32, #tpu.memory_space<vmem>> -> memref<1x80x64xf32, #tpu.memory_space<vmem>>
    %dma_start3A_30 = tpu.memref_squeeze %dma_start3A_29 : memref<1x80x64xf32, #tpu.memory_space<vmem>> -> memref<80x64xf32, #tpu.memory_space<vmem>>
    %dma_start3A_31 = arith.constant 0 : i32
    %dma_start3A_32 = arith.constant 0 : i32
    %dma_start3A_33 = tpu.memref_slice %arg3[%arg0, %arg1, %dma_start3A_17, %dma_start3A_31, %dma_start3A_32] : memref<2x16x250x80x64xf32, #tpu.memory_space<hbm>> -> memref<1x1x1x80x64xf32, #tpu.memory_space<hbm>>
    %dma_start3A_34 = tpu.memref_squeeze %dma_start3A_33 : memref<1x1x1x80x64xf32, #tpu.memory_space<hbm>> -> memref<80x64xf32, #tpu.memory_space<hbm>>
    tpu.enqueue_dma source(%dma_start3A_34 : memref<80x64xf32, #tpu.memory_space<hbm>>) target(%dma_start3A_30 : memref<80x64xf32, #tpu.memory_space<vmem>>) target_semaphore(%arg15 : memref<!tpu.dma_semaphore, #tpu.memory_space<semaphore_mem>>)
    %dma_start3A_35 = arith.constant 1 : i32
    %dma_start3A_36 = arith.constant 1 : i32
    %dma_start3A_37 = arith.constant 0 : i32
    %dma_start3A_38 = arith.constant 0 : i32
    %dma_start3A_39 = tpu.memref_slice %arg9[%dma_start3A_36, %dma_start3A_37, %dma_start3A_38] : memref<2x80x64xf32, #tpu.memory_space<vmem>> -> memref<1x80x64xf32, #tpu.memory_space<vmem>>
    %dma_start3A_40 = tpu.memref_squeeze %dma_start3A_39 : memref<1x80x64xf32, #tpu.memory_space<vmem>> -> memref<80x64xf32, #tpu.memory_space<vmem>>
    %dma_start3A_41 = arith.constant 0 : i32
    %dma_start3A_42 = tpu.memref_slice %arg7[%dma_start3A_35, %dma_start3A_41] : memref<250x80xi32, #tpu.memory_space<vmem>> -> memref<1x80xi32, #tpu.memory_space<vmem>>
    %dma_start3A_43 = tpu.memref_squeeze %dma_start3A_42 : memref<1x80xi32, #tpu.memory_space<vmem>> -> memref<80xi32, #tpu.memory_space<vmem>>
    %dma_start3A_44 = arith.constant 0 : i32
    %dma_start3A_45 = arith.constant 0 : i32
    %dma_start3A_46 = tpu.memref_slice %arg2[%dma_start3A_44, %dma_start3A_45] : memref<20000x64xf32, #tpu.memory_space<hbm>> -> memref<20000x64xf32, #tpu.memory_space<hbm>>
    tpu.enqueue_indirect_dma source(%dma_start3A_46 : memref<20000x64xf32, #tpu.memory_space<hbm>>) target(%dma_start3A_40 : memref<80x64xf32, #tpu.memory_space<vmem>>) offsets(%dma_start3A_43 : memref<80xi32, #tpu.memory_space<vmem>>) semaphore(%arg14 : memref<!tpu.dma_semaphore, #tpu.memory_space<semaphore_mem>>)
    %dma_start3A_47 = arith.constant 1 : i32
    %dma_start3A_48 = arith.constant 1 : i32
    %dma_start3A_49 = arith.constant 0 : i32
    %dma_start3A_50 = arith.constant 0 : i32
    %dma_start3A_51 = tpu.memref_slice %arg10[%dma_start3A_48, %dma_start3A_49, %dma_start3A_50] : memref<2x80x64xf32, #tpu.memory_space<vmem>> -> memref<1x80x64xf32, #tpu.memory_space<vmem>>
    %dma_start3A_52 = tpu.memref_squeeze %dma_start3A_51 : memref<1x80x64xf32, #tpu.memory_space<vmem>> -> memref<80x64xf32, #tpu.memory_space<vmem>>
    %dma_start3A_53 = arith.constant 0 : i32
    %dma_start3A_54 = arith.constant 0 : i32
    %dma_start3A_55 = tpu.memref_slice %arg3[%arg0, %arg1, %dma_start3A_47, %dma_start3A_53, %dma_start3A_54] : memref<2x16x250x80x64xf32, #tpu.memory_space<hbm>> -> memref<1x1x1x80x64xf32, #tpu.memory_space<hbm>>
    %dma_start3A_56 = tpu.memref_squeeze %dma_start3A_55 : memref<1x1x1x80x64xf32, #tpu.memory_space<hbm>> -> memref<80x64xf32, #tpu.memory_space<hbm>>
    %dma_start3A_57 = arith.constant 0 : i32
    %dma_start3A_58 = arith.constant 0 : i32
    %dma_start3A_59 = tpu.memref_slice %arg10[%dma_start3A_48, %dma_start3A_57, %dma_start3A_58] : memref<2x80x64xf32, #tpu.memory_space<vmem>> -> memref<1x80x64xf32, #tpu.memory_space<vmem>>
    %dma_start3A_60 = tpu.memref_squeeze %dma_start3A_59 : memref<1x80x64xf32, #tpu.memory_space<vmem>> -> memref<80x64xf32, #tpu.memory_space<vmem>>
    %dma_start3A_61 = arith.constant 0 : i32
    %dma_start3A_62 = arith.constant 0 : i32
    %dma_start3A_63 = tpu.memref_slice %arg3[%arg0, %arg1, %dma_start3A_47, %dma_start3A_61, %dma_start3A_62] : memref<2x16x250x80x64xf32, #tpu.memory_space<hbm>> -> memref<1x1x1x80x64xf32, #tpu.memory_space<hbm>>
    %dma_start3A_64 = tpu.memref_squeeze %dma_start3A_63 : memref<1x1x1x80x64xf32, #tpu.memory_space<hbm>> -> memref<80x64xf32, #tpu.memory_space<hbm>>
    tpu.enqueue_dma source(%dma_start3A_64 : memref<80x64xf32, #tpu.memory_space<hbm>>) target(%dma_start3A_60 : memref<80x64xf32, #tpu.memory_space<vmem>>) target_semaphore(%arg16 : memref<!tpu.dma_semaphore, #tpu.memory_space<semaphore_mem>>)
    %scan3A_65 = arith.constant 0 : i32
    %scan3A_66 = arith.constant 0 : i32
    %scan3A_67 = arith.constant 80 : i32
    %scan3A_68 = arith.addi %scan3A_66, %scan3A_67 : i32
    %scan3A_69 = arith.constant 1 : i32
    scf.for %scan3A_169 = %scan3A_66 to %scan3A_68 step %scan3A_69  : i32 {
      %broadcast_in_dim3A = arith.constant 0.000000e+00 : f32
      %broadcast_in_dim3A_170 = vector.broadcast %broadcast_in_dim3A : f32 to vector<16xf32>
      %swap3A = arith.index_cast %scan3A_169 : i32 to index
      %swap3A_171 = arith.constant 0 : index
      %swap3A_172 = tpu.vector_load %arg11[%swap3A, %swap3A_171] {strides = array<i32>} : memref<80x64xf32, #tpu.memory_space<vmem>>, vector<1x16xf32>,
      %swap3A_173 = vector.shape_cast %swap3A_172 : vector<1x16xf32> to vector<16xf32>
      %swap3A_174 = vector.shape_cast %broadcast_in_dim3A_170 : vector<16xf32> to vector<1x16xf32>
      tpu.vector_store %arg11[%swap3A, %swap3A_171], %swap3A_174 {strides = array<i32>} : memref<80x64xf32, #tpu.memory_space<vmem>>, vector<1x16xf32>,
      %broadcast_in_dim3A_175 = arith.constant 0.000000e+00 : f32
      %broadcast_in_dim3A_176 = vector.broadcast %broadcast_in_dim3A_175 : f32 to vector<16xf32>
      %swap3A_177 = arith.index_cast %scan3A_169 : i32 to index
      %swap3A_178 = arith.constant 16 : index
      %swap3A_179 = tpu.vector_load %arg11[%swap3A_177, %swap3A_178] {strides = array<i32>} : memref<80x64xf32, #tpu.memory_space<vmem>>, vector<1x16xf32>,
      %swap3A_180 = vector.shape_cast %swap3A_179 : vector<1x16xf32> to vector<16xf32>
      %swap3A_181 = vector.shape_cast %broadcast_in_dim3A_176 : vector<16xf32> to vector<1x16xf32>
      tpu.vector_store %arg11[%swap3A_177, %swap3A_178], %swap3A_181 {strides = array<i32>} : memref<80x64xf32, #tpu.memory_space<vmem>>, vector<1x16xf32>,
      %broadcast_in_dim3A_182 = arith.constant 0.000000e+00 : f32
      %broadcast_in_dim3A_183 = vector.broadcast %broadcast_in_dim3A_182 : f32 to vector<16xf32>
      %swap3A_184 = arith.index_cast %scan3A_169 : i32 to index
      %swap3A_185 = arith.constant 32 : index
      %swap3A_186 = tpu.vector_load %arg11[%swap3A_184, %swap3A_185] {strides = array<i32>} : memref<80x64xf32, #tpu.memory_space<vmem>>, vector<1x16xf32>,
      %swap3A_187 = vector.shape_cast %swap3A_186 : vector<1x16xf32> to vector<16xf32>
      %swap3A_188 = vector.shape_cast %broadcast_in_dim3A_183 : vector<16xf32> to vector<1x16xf32>
      tpu.vector_store %arg11[%swap3A_184, %swap3A_185], %swap3A_188 {strides = array<i32>} : memref<80x64xf32, #tpu.memory_space<vmem>>, vector<1x16xf32>,
      %broadcast_in_dim3A_189 = arith.constant 0.000000e+00 : f32
      %broadcast_in_dim3A_190 = vector.broadcast %broadcast_in_dim3A_189 : f32 to vector<16xf32>
      %swap3A_191 = arith.index_cast %scan3A_169 : i32 to index
      %swap3A_192 = arith.constant 48 : index
      %swap3A_193 = tpu.vector_load %arg11[%swap3A_191, %swap3A_192] {strides = array<i32>} : memref<80x64xf32, #tpu.memory_space<vmem>>, vector<1x16xf32>,
      %swap3A_194 = vector.shape_cast %swap3A_193 : vector<1x16xf32> to vector<16xf32>
      %swap3A_195 = vector.shape_cast %broadcast_in_dim3A_190 : vector<16xf32> to vector<1x16xf32>
      tpu.vector_store %arg11[%swap3A_191, %swap3A_192], %swap3A_195 {strides = array<i32>} : memref<80x64xf32, #tpu.memory_space<vmem>>, vector<1x16xf32>,
    }
    %scan3A_70 = arith.constant 80 : i32
    %mul3A_71 = arith.constant 640 : i32
    %mul3A_72 = arith.muli %arg1, %mul3A_71 : i32
    %add3A = arith.constant 0 : i32
    %add3A_73 = arith.addi %mul3A_72, %add3A : i32
    "tpu.region"() ({
      %run_scoped3A_169 = tpu.sem_alloc : memref<!tpu.dma_semaphore, #tpu.memory_space<semaphore_mem>>
      %dma_start3A_170 = arith.constant 0 : i32
      %dma_start3A_171 = tpu.memref_slice %arg12[%add3A_73, %dma_start3A_170] : memref<10240x64xf32, #tpu.memory_space<vmem_shared>> -> memref<80x64xf32, #tpu.memory_space<vmem_shared>>
      %dma_start3A_172 = arith.constant 0 : i32
      %dma_start3A_173 = tpu.memref_slice %arg12[%add3A_73, %dma_start3A_172] : memref<10240x64xf32, #tpu.memory_space<vmem_shared>> -> memref<80x64xf32, #tpu.memory_space<vmem_shared>>
      tpu.enqueue_dma source(%arg11 : memref<80x64xf32, #tpu.memory_space<vmem>>) target(%dma_start3A_173 : memref<80x64xf32, #tpu.memory_space<vmem_shared>>) target_semaphore(%run_scoped3A_169 : memref<!tpu.dma_semaphore, #tpu.memory_space<semaphore_mem>>)
      %dma_wait3A_174 = arith.constant 0 : i32
      %dma_wait3A_175 = tpu.memref_slice %arg12[%add3A_73, %dma_wait3A_174] : memref<10240x64xf32, #tpu.memory_space<vmem_shared>> -> memref<80x64xf32, #tpu.memory_space<vmem_shared>>
      %dma_wait3A_176 = arith.constant 0 : i32
      %dma_wait3A_177 = tpu.memref_slice %arg12[%add3A_73, %dma_wait3A_176] : memref<10240x64xf32, #tpu.memory_space<vmem_shared>> -> memref<80x64xf32, #tpu.memory_space<vmem_shared>>
      tpu.wait_dma2 semaphore(%run_scoped3A_169 : memref<!tpu.dma_semaphore, #tpu.memory_space<semaphore_mem>>) src(%arg11 : memref<80x64xf32, #tpu.memory_space<vmem>>) dst(%dma_wait3A_177 : memref<80x64xf32, #tpu.memory_space<vmem_shared>>)
      tpu.yield
    }) : () -> ()
    %add3A_74 = arith.constant 80 : i32
    %add3A_75 = arith.addi %mul3A_72, %add3A_74 : i32
    "tpu.region"() ({
      %run_scoped3A_169 = tpu.sem_alloc : memref<!tpu.dma_semaphore, #tpu.memory_space<semaphore_mem>>
      %dma_start3A_170 = arith.constant 0 : i32
      %dma_start3A_171 = tpu.memref_slice %arg12[%add3A_75, %dma_start3A_170] : memref<10240x64xf32, #tpu.memory_space<vmem_shared>> -> memref<80x64xf32, #tpu.memory_space<vmem_shared>>
      %dma_start3A_172 = arith.constant 0 : i32
      %dma_start3A_173 = tpu.memref_slice %arg12[%add3A_75, %dma_start3A_172] : memref<10240x64xf32, #tpu.memory_space<vmem_shared>> -> memref<80x64xf32, #tpu.memory_space<vmem_shared>>
      tpu.enqueue_dma source(%arg11 : memref<80x64xf32, #tpu.memory_space<vmem>>) target(%dma_start3A_173 : memref<80x64xf32, #tpu.memory_space<vmem_shared>>) target_semaphore(%run_scoped3A_169 : memref<!tpu.dma_semaphore, #tpu.memory_space<semaphore_mem>>)
      %dma_wait3A_174 = arith.constant 0 : i32
      %dma_wait3A_175 = tpu.memref_slice %arg12[%add3A_75, %dma_wait3A_174] : memref<10240x64xf32, #tpu.memory_space<vmem_shared>> -> memref<80x64xf32, #tpu.memory_space<vmem_shared>>
      %dma_wait3A_176 = arith.constant 0 : i32
      %dma_wait3A_177 = tpu.memref_slice %arg12[%add3A_75, %dma_wait3A_176] : memref<10240x64xf32, #tpu.memory_space<vmem_shared>> -> memref<80x64xf32, #tpu.memory_space<vmem_shared>>
      tpu.wait_dma2 semaphore(%run_scoped3A_169 : memref<!tpu.dma_semaphore, #tpu.memory_space<semaphore_mem>>) src(%arg11 : memref<80x64xf32, #tpu.memory_space<vmem>>) dst(%dma_wait3A_177 : memref<80x64xf32, #tpu.memory_space<vmem_shared>>)
      tpu.yield
    }) : () -> ()
    %add3A_76 = arith.constant 160 : i32
    %add3A_77 = arith.addi %mul3A_72, %add3A_76 : i32
    "tpu.region"() ({
      %run_scoped3A_169 = tpu.sem_alloc : memref<!tpu.dma_semaphore, #tpu.memory_space<semaphore_mem>>
      %dma_start3A_170 = arith.constant 0 : i32
      %dma_start3A_171 = tpu.memref_slice %arg12[%add3A_77, %dma_start3A_170] : memref<10240x64xf32, #tpu.memory_space<vmem_shared>> -> memref<80x64xf32, #tpu.memory_space<vmem_shared>>
      %dma_start3A_172 = arith.constant 0 : i32
      %dma_start3A_173 = tpu.memref_slice %arg12[%add3A_77, %dma_start3A_172] : memref<10240x64xf32, #tpu.memory_space<vmem_shared>> -> memref<80x64xf32, #tpu.memory_space<vmem_shared>>
      tpu.enqueue_dma source(%arg11 : memref<80x64xf32, #tpu.memory_space<vmem>>) target(%dma_start3A_173 : memref<80x64xf32, #tpu.memory_space<vmem_shared>>) target_semaphore(%run_scoped3A_169 : memref<!tpu.dma_semaphore, #tpu.memory_space<semaphore_mem>>)
      %dma_wait3A_174 = arith.constant 0 : i32
      %dma_wait3A_175 = tpu.memref_slice %arg12[%add3A_77, %dma_wait3A_174] : memref<10240x64xf32, #tpu.memory_space<vmem_shared>> -> memref<80x64xf32, #tpu.memory_space<vmem_shared>>
      %dma_wait3A_176 = arith.constant 0 : i32
      %dma_wait3A_177 = tpu.memref_slice %arg12[%add3A_77, %dma_wait3A_176] : memref<10240x64xf32, #tpu.memory_space<vmem_shared>> -> memref<80x64xf32, #tpu.memory_space<vmem_shared>>
      tpu.wait_dma2 semaphore(%run_scoped3A_169 : memref<!tpu.dma_semaphore, #tpu.memory_space<semaphore_mem>>) src(%arg11 : memref<80x64xf32, #tpu.memory_space<vmem>>) dst(%dma_wait3A_177 : memref<80x64xf32, #tpu.memory_space<vmem_shared>>)
      tpu.yield
    }) : () -> ()
    %add3A_78 = arith.constant 240 : i32
    %add3A_79 = arith.addi %mul3A_72, %add3A_78 : i32
    "tpu.region"() ({
      %run_scoped3A_169 = tpu.sem_alloc : memref<!tpu.dma_semaphore, #tpu.memory_space<semaphore_mem>>
      %dma_start3A_170 = arith.constant 0 : i32
      %dma_start3A_171 = tpu.memref_slice %arg12[%add3A_79, %dma_start3A_170] : memref<10240x64xf32, #tpu.memory_space<vmem_shared>> -> memref<80x64xf32, #tpu.memory_space<vmem_shared>>
      %dma_start3A_172 = arith.constant 0 : i32
      %dma_start3A_173 = tpu.memref_slice %arg12[%add3A_79, %dma_start3A_172] : memref<10240x64xf32, #tpu.memory_space<vmem_shared>> -> memref<80x64xf32, #tpu.memory_space<vmem_shared>>
      tpu.enqueue_dma source(%arg11 : memref<80x64xf32, #tpu.memory_space<vmem>>) target(%dma_start3A_173 : memref<80x64xf32, #tpu.memory_space<vmem_shared>>) target_semaphore(%run_scoped3A_169 : memref<!tpu.dma_semaphore, #tpu.memory_space<semaphore_mem>>)
      %dma_wait3A_174 = arith.constant 0 : i32
      %dma_wait3A_175 = tpu.memref_slice %arg12[%add3A_79, %dma_wait3A_174] : memref<10240x64xf32, #tpu.memory_space<vmem_shared>> -> memref<80x64xf32, #tpu.memory_space<vmem_shared>>
      %dma_wait3A_176 = arith.constant 0 : i32
      %dma_wait3A_177 = tpu.memref_slice %arg12[%add3A_79, %dma_wait3A_176] : memref<10240x64xf32, #tpu.memory_space<vmem_shared>> -> memref<80x64xf32, #tpu.memory_space<vmem_shared>>
      tpu.wait_dma2 semaphore(%run_scoped3A_169 : memref<!tpu.dma_semaphore, #tpu.memory_space<semaphore_mem>>) src(%arg11 : memref<80x64xf32, #tpu.memory_space<vmem>>) dst(%dma_wait3A_177 : memref<80x64xf32, #tpu.memory_space<vmem_shared>>)
      tpu.yield
    }) : () -> ()
    %add3A_80 = arith.constant 320 : i32
    %add3A_81 = arith.addi %mul3A_72, %add3A_80 : i32
    "tpu.region"() ({
      %run_scoped3A_169 = tpu.sem_alloc : memref<!tpu.dma_semaphore, #tpu.memory_space<semaphore_mem>>
      %dma_start3A_170 = arith.constant 0 : i32
      %dma_start3A_171 = tpu.memref_slice %arg12[%add3A_81, %dma_start3A_170] : memref<10240x64xf32, #tpu.memory_space<vmem_shared>> -> memref<80x64xf32, #tpu.memory_space<vmem_shared>>
      %dma_start3A_172 = arith.constant 0 : i32
      %dma_start3A_173 = tpu.memref_slice %arg12[%add3A_81, %dma_start3A_172] : memref<10240x64xf32, #tpu.memory_space<vmem_shared>> -> memref<80x64xf32, #tpu.memory_space<vmem_shared>>
      tpu.enqueue_dma source(%arg11 : memref<80x64xf32, #tpu.memory_space<vmem>>) target(%dma_start3A_173 : memref<80x64xf32, #tpu.memory_space<vmem_shared>>) target_semaphore(%run_scoped3A_169 : memref<!tpu.dma_semaphore, #tpu.memory_space<semaphore_mem>>)
      %dma_wait3A_174 = arith.constant 0 : i32
      %dma_wait3A_175 = tpu.memref_slice %arg12[%add3A_81, %dma_wait3A_174] : memref<10240x64xf32, #tpu.memory_space<vmem_shared>> -> memref<80x64xf32, #tpu.memory_space<vmem_shared>>
      %dma_wait3A_176 = arith.constant 0 : i32
      %dma_wait3A_177 = tpu.memref_slice %arg12[%add3A_81, %dma_wait3A_176] : memref<10240x64xf32, #tpu.memory_space<vmem_shared>> -> memref<80x64xf32, #tpu.memory_space<vmem_shared>>
      tpu.wait_dma2 semaphore(%run_scoped3A_169 : memref<!tpu.dma_semaphore, #tpu.memory_space<semaphore_mem>>) src(%arg11 : memref<80x64xf32, #tpu.memory_space<vmem>>) dst(%dma_wait3A_177 : memref<80x64xf32, #tpu.memory_space<vmem_shared>>)
      tpu.yield
    }) : () -> ()
    %add3A_82 = arith.constant 400 : i32
    %add3A_83 = arith.addi %mul3A_72, %add3A_82 : i32
    "tpu.region"() ({
      %run_scoped3A_169 = tpu.sem_alloc : memref<!tpu.dma_semaphore, #tpu.memory_space<semaphore_mem>>
      %dma_start3A_170 = arith.constant 0 : i32
      %dma_start3A_171 = tpu.memref_slice %arg12[%add3A_83, %dma_start3A_170] : memref<10240x64xf32, #tpu.memory_space<vmem_shared>> -> memref<80x64xf32, #tpu.memory_space<vmem_shared>>
      %dma_start3A_172 = arith.constant 0 : i32
      %dma_start3A_173 = tpu.memref_slice %arg12[%add3A_83, %dma_start3A_172] : memref<10240x64xf32, #tpu.memory_space<vmem_shared>> -> memref<80x64xf32, #tpu.memory_space<vmem_shared>>
      tpu.enqueue_dma source(%arg11 : memref<80x64xf32, #tpu.memory_space<vmem>>) target(%dma_start3A_173 : memref<80x64xf32, #tpu.memory_space<vmem_shared>>) target_semaphore(%run_scoped3A_169 : memref<!tpu.dma_semaphore, #tpu.memory_space<semaphore_mem>>)
      %dma_wait3A_174 = arith.constant 0 : i32
      %dma_wait3A_175 = tpu.memref_slice %arg12[%add3A_83, %dma_wait3A_174] : memref<10240x64xf32, #tpu.memory_space<vmem_shared>> -> memref<80x64xf32, #tpu.memory_space<vmem_shared>>
      %dma_wait3A_176 = arith.constant 0 : i32
      %dma_wait3A_177 = tpu.memref_slice %arg12[%add3A_83, %dma_wait3A_176] : memref<10240x64xf32, #tpu.memory_space<vmem_shared>> -> memref<80x64xf32, #tpu.memory_space<vmem_shared>>
      tpu.wait_dma2 semaphore(%run_scoped3A_169 : memref<!tpu.dma_semaphore, #tpu.memory_space<semaphore_mem>>) src(%arg11 : memref<80x64xf32, #tpu.memory_space<vmem>>) dst(%dma_wait3A_177 : memref<80x64xf32, #tpu.memory_space<vmem_shared>>)
      tpu.yield
    }) : () -> ()
    %add3A_84 = arith.constant 480 : i32
    %add3A_85 = arith.addi %mul3A_72, %add3A_84 : i32
    "tpu.region"() ({
      %run_scoped3A_169 = tpu.sem_alloc : memref<!tpu.dma_semaphore, #tpu.memory_space<semaphore_mem>>
      %dma_start3A_170 = arith.constant 0 : i32
      %dma_start3A_171 = tpu.memref_slice %arg12[%add3A_85, %dma_start3A_170] : memref<10240x64xf32, #tpu.memory_space<vmem_shared>> -> memref<80x64xf32, #tpu.memory_space<vmem_shared>>
      %dma_start3A_172 = arith.constant 0 : i32
      %dma_start3A_173 = tpu.memref_slice %arg12[%add3A_85, %dma_start3A_172] : memref<10240x64xf32, #tpu.memory_space<vmem_shared>> -> memref<80x64xf32, #tpu.memory_space<vmem_shared>>
      tpu.enqueue_dma source(%arg11 : memref<80x64xf32, #tpu.memory_space<vmem>>) target(%dma_start3A_173 : memref<80x64xf32, #tpu.memory_space<vmem_shared>>) target_semaphore(%run_scoped3A_169 : memref<!tpu.dma_semaphore, #tpu.memory_space<semaphore_mem>>)
      %dma_wait3A_174 = arith.constant 0 : i32
      %dma_wait3A_175 = tpu.memref_slice %arg12[%add3A_85, %dma_wait3A_174] : memref<10240x64xf32, #tpu.memory_space<vmem_shared>> -> memref<80x64xf32, #tpu.memory_space<vmem_shared>>
      %dma_wait3A_176 = arith.constant 0 : i32
      %dma_wait3A_177 = tpu.memref_slice %arg12[%add3A_85, %dma_wait3A_176] : memref<10240x64xf32, #tpu.memory_space<vmem_shared>> -> memref<80x64xf32, #tpu.memory_space<vmem_shared>>
      tpu.wait_dma2 semaphore(%run_scoped3A_169 : memref<!tpu.dma_semaphore, #tpu.memory_space<semaphore_mem>>) src(%arg11 : memref<80x64xf32, #tpu.memory_space<vmem>>) dst(%dma_wait3A_177 : memref<80x64xf32, #tpu.memory_space<vmem_shared>>)
      tpu.yield
    }) : () -> ()
    %add3A_86 = arith.constant 560 : i32
    %add3A_87 = arith.addi %mul3A_72, %add3A_86 : i32
    "tpu.region"() ({
      %run_scoped3A_169 = tpu.sem_alloc : memref<!tpu.dma_semaphore, #tpu.memory_space<semaphore_mem>>
      %dma_start3A_170 = arith.constant 0 : i32
      %dma_start3A_171 = tpu.memref_slice %arg12[%add3A_87, %dma_start3A_170] : memref<10240x64xf32, #tpu.memory_space<vmem_shared>> -> memref<80x64xf32, #tpu.memory_space<vmem_shared>>
      %dma_start3A_172 = arith.constant 0 : i32
      %dma_start3A_173 = tpu.memref_slice %arg12[%add3A_87, %dma_start3A_172] : memref<10240x64xf32, #tpu.memory_space<vmem_shared>> -> memref<80x64xf32, #tpu.memory_space<vmem_shared>>
      tpu.enqueue_dma source(%arg11 : memref<80x64xf32, #tpu.memory_space<vmem>>) target(%dma_start3A_173 : memref<80x64xf32, #tpu.memory_space<vmem_shared>>) target_semaphore(%run_scoped3A_169 : memref<!tpu.dma_semaphore, #tpu.memory_space<semaphore_mem>>)
      %dma_wait3A_174 = arith.constant 0 : i32
      %dma_wait3A_175 = tpu.memref_slice %arg12[%add3A_87, %dma_wait3A_174] : memref<10240x64xf32, #tpu.memory_space<vmem_shared>> -> memref<80x64xf32, #tpu.memory_space<vmem_shared>>
      %dma_wait3A_176 = arith.constant 0 : i32
      %dma_wait3A_177 = tpu.memref_slice %arg12[%add3A_87, %dma_wait3A_176] : memref<10240x64xf32, #tpu.memory_space<vmem_shared>> -> memref<80x64xf32, #tpu.memory_space<vmem_shared>>
      tpu.wait_dma2 semaphore(%run_scoped3A_169 : memref<!tpu.dma_semaphore, #tpu.memory_space<semaphore_mem>>) src(%arg11 : memref<80x64xf32, #tpu.memory_space<vmem>>) dst(%dma_wait3A_177 : memref<80x64xf32, #tpu.memory_space<vmem_shared>>)
      tpu.yield
    }) : () -> ()
    %barrier3A = arith.constant 0 : index
    tpu.barrier barrier_id(%barrier3A)
    %scan3A_88 = arith.constant 0 : i32
    %scan3A_89 = arith.constant 0 : i32
    %scan3A_90 = arith.constant 124 : i32
    %scan3A_91 = arith.addi %scan3A_89, %scan3A_90 : i32
    %scan3A_92 = arith.constant 1 : i32
    scf.for %scan3A_169 = %scan3A_89 to %scan3A_91 step %scan3A_92  : i32 {
      %mul3A_170 = arith.constant 2 : i32
      %mul3A_171 = arith.muli %scan3A_169, %mul3A_170 : i32
      %add3A_172 = arith.constant 0 : i32
      %add3A_173 = arith.addi %mul3A_171, %add3A_172 : i32
      %dma_wait3A_174 = arith.constant 0 : i32
      %dma_wait3A_175 = arith.constant 0 : i32
      %dma_wait3A_176 = arith.constant 0 : i32
      %dma_wait3A_177 = tpu.memref_slice %arg9[%dma_wait3A_174, %dma_wait3A_175, %dma_wait3A_176] : memref<2x80x64xf32, #tpu.memory_space<vmem>> -> memref<1x80x64xf32, #tpu.memory_space<vmem>>
      %dma_wait3A_178 = tpu.memref_squeeze %dma_wait3A_177 : memref<1x80x64xf32, #tpu.memory_space<vmem>> -> memref<80x64xf32, #tpu.memory_space<vmem>>
      %dma_wait3A_179 = arith.constant 0 : i32
      %dma_wait3A_180 = tpu.memref_slice %arg7[%add3A_173, %dma_wait3A_179] : memref<250x80xi32, #tpu.memory_space<vmem>> -> memref<1x80xi32, #tpu.memory_space<vmem>>
      %dma_wait3A_181 = tpu.memref_squeeze %dma_wait3A_180 : memref<1x80xi32, #tpu.memory_space<vmem>> -> memref<80xi32, #tpu.memory_space<vmem>>
      %dma_wait3A_182 = arith.constant 0 : i32
      %dma_wait3A_183 = arith.constant 0 : i32
      %dma_wait3A_184 = tpu.memref_slice %arg2[%dma_wait3A_182, %dma_wait3A_183] : memref<20000x64xf32, #tpu.memory_space<hbm>> -> memref<20000x64xf32, #tpu.memory_space<hbm>>
      tpu.wait_indirect_dma semaphore(%arg13 : memref<!tpu.dma_semaphore, #tpu.memory_space<semaphore_mem>>) src(%dma_wait3A_184 : memref<20000x64xf32, #tpu.memory_space<hbm>>) dst(%dma_wait3A_178 : memref<80x64xf32, #tpu.memory_space<vmem>>)
      %dma_wait3A_185 = arith.constant 0 : i32
      %dma_wait3A_186 = arith.constant 0 : i32
      %dma_wait3A_187 = arith.constant 0 : i32
      %dma_wait3A_188 = tpu.memref_slice %arg10[%dma_wait3A_185, %dma_wait3A_186, %dma_wait3A_187] : memref<2x80x64xf32, #tpu.memory_space<vmem>> -> memref<1x80x64xf32, #tpu.memory_space<vmem>>
      %dma_wait3A_189 = tpu.memref_squeeze %dma_wait3A_188 : memref<1x80x64xf32, #tpu.memory_space<vmem>> -> memref<80x64xf32, #tpu.memory_space<vmem>>
      %dma_wait3A_190 = arith.constant 0 : i32
      %dma_wait3A_191 = arith.constant 0 : i32
      %dma_wait3A_192 = tpu.memref_slice %arg3[%arg0, %arg1, %add3A_173, %dma_wait3A_190, %dma_wait3A_191] : memref<2x16x250x80x64xf32, #tpu.memory_space<hbm>> -> memref<1x1x1x80x64xf32, #tpu.memory_space<hbm>>
      %dma_wait3A_193 = tpu.memref_squeeze %dma_wait3A_192 : memref<1x1x1x80x64xf32, #tpu.memory_space<hbm>> -> memref<80x64xf32, #tpu.memory_space<hbm>>
      %dma_wait3A_194 = arith.constant 0 : i32
      %dma_wait3A_195 = arith.constant 0 : i32
      %dma_wait3A_196 = tpu.memref_slice %arg10[%dma_wait3A_185, %dma_wait3A_194, %dma_wait3A_195] : memref<2x80x64xf32, #tpu.memory_space<vmem>> -> memref<1x80x64xf32, #tpu.memory_space<vmem>>
      %dma_wait3A_197 = tpu.memref_squeeze %dma_wait3A_196 : memref<1x80x64xf32, #tpu.memory_space<vmem>> -> memref<80x64xf32, #tpu.memory_space<vmem>>
      %dma_wait3A_198 = arith.constant 0 : i32
      %dma_wait3A_199 = arith.constant 0 : i32
      %dma_wait3A_200 = tpu.memref_slice %arg3[%arg0, %arg1, %add3A_173, %dma_wait3A_198, %dma_wait3A_199] : memref<2x16x250x80x64xf32, #tpu.memory_space<hbm>> -> memref<1x1x1x80x64xf32, #tpu.memory_space<hbm>>
      %dma_wait3A_201 = tpu.memref_squeeze %dma_wait3A_200 : memref<1x1x1x80x64xf32, #tpu.memory_space<hbm>> -> memref<80x64xf32, #tpu.memory_space<hbm>>
      tpu.wait_dma2 semaphore(%arg15 : memref<!tpu.dma_semaphore, #tpu.memory_space<semaphore_mem>>) src(%dma_wait3A_201 : memref<80x64xf32, #tpu.memory_space<hbm>>) dst(%dma_wait3A_197 : memref<80x64xf32, #tpu.memory_space<vmem>>)
      %scan3A_202 = arith.constant 0 : i32
      %scan3A_203 = arith.constant 0 : i32
      %scan3A_204 = arith.constant 80 : i32
      %scan3A_205 = arith.addi %scan3A_203, %scan3A_204 : i32
      %scan3A_206 = arith.constant 1 : i32
      scf.for %scan3A_306 = %scan3A_203 to %scan3A_205 step %scan3A_206  : i32 {
        %get3A = arith.constant 0 : i32
        %get3A_307 = arith.index_cast %get3A : i32 to index
        %get3A_308 = arith.index_cast %scan3A_306 : i32 to index
        %get3A_309 = arith.constant 0 : index
        %get3A_310 = tpu.vector_load %arg9[%get3A_307, %get3A_308, %get3A_309] {strides = array<i32>} : memref<2x80x64xf32, #tpu.memory_space<vmem>>, vector<1x1x16xf32>,
        %get3A_311 = vector.shape_cast %get3A_310 : vector<1x1x16xf32> to vector<16xf32>
        %get3A_312 = arith.constant 0 : i32
        %get3A_313 = arith.index_cast %get3A_312 : i32 to index
        %get3A_314 = arith.index_cast %scan3A_306 : i32 to index
        %get3A_315 = arith.constant 0 : index
        %get3A_316 = tpu.vector_load %arg10[%get3A_313, %get3A_314, %get3A_315] {strides = array<i32>} : memref<2x80x64xf32, #tpu.memory_space<vmem>>, vector<1x1x16xf32>,
        %get3A_317 = vector.shape_cast %get3A_316 : vector<1x1x16xf32> to vector<16xf32>
        %mul3A_318 = arith.mulf %get3A_311, %get3A_317 : vector<16xf32>
        %swap3A = arith.constant 0 : i32
        %swap3A_319 = arith.index_cast %swap3A : i32 to index
        %swap3A_320 = arith.index_cast %scan3A_306 : i32 to index
        %swap3A_321 = arith.constant 0 : index
        %swap3A_322 = tpu.vector_load %arg9[%swap3A_319, %swap3A_320, %swap3A_321] {strides = array<i32>} : memref<2x80x64xf32, #tpu.memory_space<vmem>>, vector<1x1x16xf32>,
        %swap3A_323 = vector.shape_cast %swap3A_322 : vector<1x1x16xf32> to vector<16xf32>
        %swap3A_324 = vector.shape_cast %mul3A_318 : vector<16xf32> to vector<1x1x16xf32>
        tpu.vector_store %arg9[%swap3A_319, %swap3A_320, %swap3A_321], %swap3A_324 {strides = array<i32>} : memref<2x80x64xf32, #tpu.memory_space<vmem>>, vector<1x1x16xf32>,
        %get3A_325 = arith.constant 0 : i32
        %get3A_326 = arith.index_cast %get3A_325 : i32 to index
        %get3A_327 = arith.index_cast %scan3A_306 : i32 to index
        %get3A_328 = arith.constant 16 : index
        %get3A_329 = tpu.vector_load %arg9[%get3A_326, %get3A_327, %get3A_328] {strides = array<i32>} : memref<2x80x64xf32, #tpu.memory_space<vmem>>, vector<1x1x16xf32>,
        %get3A_330 = vector.shape_cast %get3A_329 : vector<1x1x16xf32> to vector<16xf32>
        %get3A_331 = arith.constant 0 : i32
        %get3A_332 = arith.index_cast %get3A_331 : i32 to index
        %get3A_333 = arith.index_cast %scan3A_306 : i32 to index
        %get3A_334 = arith.constant 16 : index
        %get3A_335 = tpu.vector_load %arg10[%get3A_332, %get3A_333, %get3A_334] {strides = array<i32>} : memref<2x80x64xf32, #tpu.memory_space<vmem>>, vector<1x1x16xf32>,
        %get3A_336 = vector.shape_cast %get3A_335 : vector<1x1x16xf32> to vector<16xf32>
        %mul3A_337 = arith.mulf %get3A_330, %get3A_336 : vector<16xf32>
        %swap3A_338 = arith.constant 0 : i32
        %swap3A_339 = arith.index_cast %swap3A_338 : i32 to index
        %swap3A_340 = arith.index_cast %scan3A_306 : i32 to index
        %swap3A_341 = arith.constant 16 : index
        %swap3A_342 = tpu.vector_load %arg9[%swap3A_339, %swap3A_340, %swap3A_341] {strides = array<i32>} : memref<2x80x64xf32, #tpu.memory_space<vmem>>, vector<1x1x16xf32>,
        %swap3A_343 = vector.shape_cast %swap3A_342 : vector<1x1x16xf32> to vector<16xf32>
        %swap3A_344 = vector.shape_cast %mul3A_337 : vector<16xf32> to vector<1x1x16xf32>
        tpu.vector_store %arg9[%swap3A_339, %swap3A_340, %swap3A_341], %swap3A_344 {strides = array<i32>} : memref<2x80x64xf32, #tpu.memory_space<vmem>>, vector<1x1x16xf32>,
        %get3A_345 = arith.constant 0 : i32
        %get3A_346 = arith.index_cast %get3A_345 : i32 to index
        %get3A_347 = arith.index_cast %scan3A_306 : i32 to index
        %get3A_348 = arith.constant 32 : index
        %get3A_349 = tpu.vector_load %arg9[%get3A_346, %get3A_347, %get3A_348] {strides = array<i32>} : memref<2x80x64xf32, #tpu.memory_space<vmem>>, vector<1x1x16xf32>,
        %get3A_350 = vector.shape_cast %get3A_349 : vector<1x1x16xf32> to vector<16xf32>
        %get3A_351 = arith.constant 0 : i32
        %get3A_352 = arith.index_cast %get3A_351 : i32 to index
        %get3A_353 = arith.index_cast %scan3A_306 : i32 to index
        %get3A_354 = arith.constant 32 : index
        %get3A_355 = tpu.vector_load %arg10[%get3A_352, %get3A_353, %get3A_354] {strides = array<i32>} : memref<2x80x64xf32, #tpu.memory_space<vmem>>, vector<1x1x16xf32>,
        %get3A_356 = vector.shape_cast %get3A_355 : vector<1x1x16xf32> to vector<16xf32>
        %mul3A_357 = arith.mulf %get3A_350, %get3A_356 : vector<16xf32>
        %swap3A_358 = arith.constant 0 : i32
        %swap3A_359 = arith.index_cast %swap3A_358 : i32 to index
        %swap3A_360 = arith.index_cast %scan3A_306 : i32 to index
        %swap3A_361 = arith.constant 32 : index
        %swap3A_362 = tpu.vector_load %arg9[%swap3A_359, %swap3A_360, %swap3A_361] {strides = array<i32>} : memref<2x80x64xf32, #tpu.memory_space<vmem>>, vector<1x1x16xf32>,
        %swap3A_363 = vector.shape_cast %swap3A_362 : vector<1x1x16xf32> to vector<16xf32>
        %swap3A_364 = vector.shape_cast %mul3A_357 : vector<16xf32> to vector<1x1x16xf32>
        tpu.vector_store %arg9[%swap3A_359, %swap3A_360, %swap3A_361], %swap3A_364 {strides = array<i32>} : memref<2x80x64xf32, #tpu.memory_space<vmem>>, vector<1x1x16xf32>,
        %get3A_365 = arith.constant 0 : i32
        %get3A_366 = arith.index_cast %get3A_365 : i32 to index
        %get3A_367 = arith.index_cast %scan3A_306 : i32 to index
        %get3A_368 = arith.constant 48 : index
        %get3A_369 = tpu.vector_load %arg9[%get3A_366, %get3A_367, %get3A_368] {strides = array<i32>} : memref<2x80x64xf32, #tpu.memory_space<vmem>>, vector<1x1x16xf32>,
        %get3A_370 = vector.shape_cast %get3A_369 : vector<1x1x16xf32> to vector<16xf32>
        %get3A_371 = arith.constant 0 : i32
        %get3A_372 = arith.index_cast %get3A_371 : i32 to index
        %get3A_373 = arith.index_cast %scan3A_306 : i32 to index
        %get3A_374 = arith.constant 48 : index
        %get3A_375 = tpu.vector_load %arg10[%get3A_372, %get3A_373, %get3A_374] {strides = array<i32>} : memref<2x80x64xf32, #tpu.memory_space<vmem>>, vector<1x1x16xf32>,
        %get3A_376 = vector.shape_cast %get3A_375 : vector<1x1x16xf32> to vector<16xf32>
        %mul3A_377 = arith.mulf %get3A_370, %get3A_376 : vector<16xf32>
        %swap3A_378 = arith.constant 0 : i32
        %swap3A_379 = arith.index_cast %swap3A_378 : i32 to index
        %swap3A_380 = arith.index_cast %scan3A_306 : i32 to index
        %swap3A_381 = arith.constant 48 : index
        %swap3A_382 = tpu.vector_load %arg9[%swap3A_379, %swap3A_380, %swap3A_381] {strides = array<i32>} : memref<2x80x64xf32, #tpu.memory_space<vmem>>, vector<1x1x16xf32>,
        %swap3A_383 = vector.shape_cast %swap3A_382 : vector<1x1x16xf32> to vector<16xf32>
        %swap3A_384 = vector.shape_cast %mul3A_377 : vector<16xf32> to vector<1x1x16xf32>
        tpu.vector_store %arg9[%swap3A_379, %swap3A_380, %swap3A_381], %swap3A_384 {strides = array<i32>} : memref<2x80x64xf32, #tpu.memory_space<vmem>>, vector<1x1x16xf32>,
      }
      %scan3A_207 = arith.constant 80 : i32
      %run_scoped3A_208 = arith.constant 0 : i32
      "tpu.region"() ({
        %run_scoped3A_306 = tpu.sem_alloc : memref<!tpu.dma_semaphore, #tpu.memory_space<semaphore_mem>>
        %dma_start3A_307 = arith.constant 0 : i32
        %dma_start3A_308 = arith.constant 0 : i32
        %dma_start3A_309 = tpu.memref_slice %arg9[%run_scoped3A_208, %dma_start3A_307, %dma_start3A_308] : memref<2x80x64xf32, #tpu.memory_space<vmem>> -> memref<1x80x64xf32, #tpu.memory_space<vmem>>
        %dma_start3A_310 = tpu.memref_squeeze %dma_start3A_309 : memref<1x80x64xf32, #tpu.memory_space<vmem>> -> memref<80x64xf32, #tpu.memory_space<vmem>>
        %dma_start3A_311 = arith.constant 0 : i32
        %dma_start3A_312 = tpu.memref_slice %arg8[%add3A_173, %dma_start3A_311] : memref<250x80xi32, #tpu.memory_space<vmem>> -> memref<1x80xi32, #tpu.memory_space<vmem>>
        %dma_start3A_313 = tpu.memref_squeeze %dma_start3A_312 : memref<1x80xi32, #tpu.memory_space<vmem>> -> memref<80xi32, #tpu.memory_space<vmem>>
        %dma_start3A_314 = arith.constant 0 : i32
        %dma_start3A_315 = arith.constant 0 : i32
        %dma_start3A_316 = tpu.memref_slice %arg12[%dma_start3A_314, %dma_start3A_315] : memref<10240x64xf32, #tpu.memory_space<vmem_shared>> -> memref<10240x64xf32, #tpu.memory_space<vmem_shared>>
        tpu.enqueue_indirect_dma source(%dma_start3A_310 : memref<80x64xf32, #tpu.memory_space<vmem>>) target(%dma_start3A_316 : memref<10240x64xf32, #tpu.memory_space<vmem_shared>>) offsets(%dma_start3A_313 : memref<80xi32, #tpu.memory_space<vmem>>) semaphore(%run_scoped3A_306 : memref<!tpu.dma_semaphore, #tpu.memory_space<semaphore_mem>>) {add = true}
        %dma_wait3A_317 = arith.constant 0 : i32
        %dma_wait3A_318 = arith.constant 0 : i32
        %dma_wait3A_319 = tpu.memref_slice %arg9[%run_scoped3A_208, %dma_wait3A_317, %dma_wait3A_318] : memref<2x80x64xf32, #tpu.memory_space<vmem>> -> memref<1x80x64xf32, #tpu.memory_space<vmem>>
        %dma_wait3A_320 = tpu.memref_squeeze %dma_wait3A_319 : memref<1x80x64xf32, #tpu.memory_space<vmem>> -> memref<80x64xf32, #tpu.memory_space<vmem>>
        %dma_wait3A_321 = arith.constant 0 : i32
        %dma_wait3A_322 = tpu.memref_slice %arg8[%add3A_173, %dma_wait3A_321] : memref<250x80xi32, #tpu.memory_space<vmem>> -> memref<1x80xi32, #tpu.memory_space<vmem>>
        %dma_wait3A_323 = tpu.memref_squeeze %dma_wait3A_322 : memref<1x80xi32, #tpu.memory_space<vmem>> -> memref<80xi32, #tpu.memory_space<vmem>>
        %dma_wait3A_324 = arith.constant 0 : i32
        %dma_wait3A_325 = arith.constant 0 : i32
        %dma_wait3A_326 = tpu.memref_slice %arg12[%dma_wait3A_324, %dma_wait3A_325] : memref<10240x64xf32, #tpu.memory_space<vmem_shared>> -> memref<10240x64xf32, #tpu.memory_space<vmem_shared>>
        tpu.wait_indirect_dma semaphore(%run_scoped3A_306 : memref<!tpu.dma_semaphore, #tpu.memory_space<semaphore_mem>>) src(%dma_wait3A_320 : memref<80x64xf32, #tpu.memory_space<vmem>>) dst(%dma_wait3A_326 : memref<10240x64xf32, #tpu.memory_space<vmem_shared>>)
        tpu.yield
      }) : () -> ()
      %add3A_209 = arith.constant 2 : i32
      %add3A_210 = arith.addi %add3A_173, %add3A_209 : i32
      %dma_start3A_211 = arith.constant 0 : i32
      %dma_start3A_212 = arith.constant 0 : i32
      %dma_start3A_213 = arith.constant 0 : i32
      %dma_start3A_214 = tpu.memref_slice %arg9[%dma_start3A_211, %dma_start3A_212, %dma_start3A_213] : memref<2x80x64xf32, #tpu.memory_space<vmem>> -> memref<1x80x64xf32, #tpu.memory_space<vmem>>
      %dma_start3A_215 = tpu.memref_squeeze %dma_start3A_214 : memref<1x80x64xf32, #tpu.memory_space<vmem>> -> memref<80x64xf32, #tpu.memory_space<vmem>>
      %dma_start3A_216 = arith.constant 0 : i32
      %dma_start3A_217 = tpu.memref_slice %arg7[%add3A_210, %dma_start3A_216] : memref<250x80xi32, #tpu.memory_space<vmem>> -> memref<1x80xi32, #tpu.memory_space<vmem>>
      %dma_start3A_218 = tpu.memref_squeeze %dma_start3A_217 : memref<1x80xi32, #tpu.memory_space<vmem>> -> memref<80xi32, #tpu.memory_space<vmem>>
      %dma_start3A_219 = arith.constant 0 : i32
      %dma_start3A_220 = arith.constant 0 : i32
      %dma_start3A_221 = tpu.memref_slice %arg2[%dma_start3A_219, %dma_start3A_220] : memref<20000x64xf32, #tpu.memory_space<hbm>> -> memref<20000x64xf32, #tpu.memory_space<hbm>>
      tpu.enqueue_indirect_dma source(%dma_start3A_221 : memref<20000x64xf32, #tpu.memory_space<hbm>>) target(%dma_start3A_215 : memref<80x64xf32, #tpu.memory_space<vmem>>) offsets(%dma_start3A_218 : memref<80xi32, #tpu.memory_space<vmem>>) semaphore(%arg13 : memref<!tpu.dma_semaphore, #tpu.memory_space<semaphore_mem>>)
      %dma_start3A_222 = arith.constant 0 : i32
      %dma_start3A_223 = arith.constant 0 : i32
      %dma_start3A_224 = arith.constant 0 : i32
      %dma_start3A_225 = tpu.memref_slice %arg10[%dma_start3A_222, %dma_start3A_223, %dma_start3A_224] : memref<2x80x64xf32, #tpu.memory_space<vmem>> -> memref<1x80x64xf32, #tpu.memory_space<vmem>>
      %dma_start3A_226 = tpu.memref_squeeze %dma_start3A_225 : memref<1x80x64xf32, #tpu.memory_space<vmem>> -> memref<80x64xf32, #tpu.memory_space<vmem>>
      %dma_start3A_227 = arith.constant 0 : i32
      %dma_start3A_228 = arith.constant 0 : i32
      %dma_start3A_229 = tpu.memref_slice %arg3[%arg0, %arg1, %add3A_210, %dma_start3A_227, %dma_start3A_228] : memref<2x16x250x80x64xf32, #tpu.memory_space<hbm>> -> memref<1x1x1x80x64xf32, #tpu.memory_space<hbm>>
      %dma_start3A_230 = tpu.memref_squeeze %dma_start3A_229 : memref<1x1x1x80x64xf32, #tpu.memory_space<hbm>> -> memref<80x64xf32, #tpu.memory_space<hbm>>
      %dma_start3A_231 = arith.constant 0 : i32
      %dma_start3A_232 = arith.constant 0 : i32
      %dma_start3A_233 = tpu.memref_slice %arg10[%dma_start3A_222, %dma_start3A_231, %dma_start3A_232] : memref<2x80x64xf32, #tpu.memory_space<vmem>> -> memref<1x80x64xf32, #tpu.memory_space<vmem>>
      %dma_start3A_234 = tpu.memref_squeeze %dma_start3A_233 : memref<1x80x64xf32, #tpu.memory_space<vmem>> -> memref<80x64xf32, #tpu.memory_space<vmem>>
      %dma_start3A_235 = arith.constant 0 : i32
      %dma_start3A_236 = arith.constant 0 : i32
      %dma_start3A_237 = tpu.memref_slice %arg3[%arg0, %arg1, %add3A_210, %dma_start3A_235, %dma_start3A_236] : memref<2x16x250x80x64xf32, #tpu.memory_space<hbm>> -> memref<1x1x1x80x64xf32, #tpu.memory_space<hbm>>
      %dma_start3A_238 = tpu.memref_squeeze %dma_start3A_237 : memref<1x1x1x80x64xf32, #tpu.memory_space<hbm>> -> memref<80x64xf32, #tpu.memory_space<hbm>>
      tpu.enqueue_dma source(%dma_start3A_238 : memref<80x64xf32, #tpu.memory_space<hbm>>) target(%dma_start3A_234 : memref<80x64xf32, #tpu.memory_space<vmem>>) target_semaphore(%arg15 : memref<!tpu.dma_semaphore, #tpu.memory_space<semaphore_mem>>)
      %add3A_239 = arith.constant 1 : i32
      %add3A_240 = arith.addi %mul3A_171, %add3A_239 : i32
      %dma_wait3A_241 = arith.constant 1 : i32
      %dma_wait3A_242 = arith.constant 0 : i32
      %dma_wait3A_243 = arith.constant 0 : i32
      %dma_wait3A_244 = tpu.memref_slice %arg9[%dma_wait3A_241, %dma_wait3A_242, %dma_wait3A_243] : memref<2x80x64xf32, #tpu.memory_space<vmem>> -> memref<1x80x64xf32, #tpu.memory_space<vmem>>
      %dma_wait3A_245 = tpu.memref_squeeze %dma_wait3A_244 : memref<1x80x64xf32, #tpu.memory_space<vmem>> -> memref<80x64xf32, #tpu.memory_space<vmem>>
      %dma_wait3A_246 = arith.constant 0 : i32
      %dma_wait3A_247 = tpu.memref_slice %arg7[%add3A_240, %dma_wait3A_246] : memref<250x80xi32, #tpu.memory_space<vmem>> -> memref<1x80xi32, #tpu.memory_space<vmem>>
      %dma_wait3A_248 = tpu.memref_squeeze %dma_wait3A_247 : memref<1x80xi32, #tpu.memory_space<vmem>> -> memref<80xi32, #tpu.memory_space<vmem>>
      %dma_wait3A_249 = arith.constant 0 : i32
      %dma_wait3A_250 = arith.constant 0 : i32
      %dma_wait3A_251 = tpu.memref_slice %arg2[%dma_wait3A_249, %dma_wait3A_250] : memref<20000x64xf32, #tpu.memory_space<hbm>> -> memref<20000x64xf32, #tpu.memory_space<hbm>>
      tpu.wait_indirect_dma semaphore(%arg14 : memref<!tpu.dma_semaphore, #tpu.memory_space<semaphore_mem>>) src(%dma_wait3A_251 : memref<20000x64xf32, #tpu.memory_space<hbm>>) dst(%dma_wait3A_245 : memref<80x64xf32, #tpu.memory_space<vmem>>)
      %dma_wait3A_252 = arith.constant 1 : i32
      %dma_wait3A_253 = arith.constant 0 : i32
      %dma_wait3A_254 = arith.constant 0 : i32
      %dma_wait3A_255 = tpu.memref_slice %arg10[%dma_wait3A_252, %dma_wait3A_253, %dma_wait3A_254] : memref<2x80x64xf32, #tpu.memory_space<vmem>> -> memref<1x80x64xf32, #tpu.memory_space<vmem>>
      %dma_wait3A_256 = tpu.memref_squeeze %dma_wait3A_255 : memref<1x80x64xf32, #tpu.memory_space<vmem>> -> memref<80x64xf32, #tpu.memory_space<vmem>>
      %dma_wait3A_257 = arith.constant 0 : i32
      %dma_wait3A_258 = arith.constant 0 : i32
      %dma_wait3A_259 = tpu.memref_slice %arg3[%arg0, %arg1, %add3A_240, %dma_wait3A_257, %dma_wait3A_258] : memref<2x16x250x80x64xf32, #tpu.memory_space<hbm>> -> memref<1x1x1x80x64xf32, #tpu.memory_space<hbm>>
      %dma_wait3A_260 = tpu.memref_squeeze %dma_wait3A_259 : memref<1x1x1x80x64xf32, #tpu.memory_space<hbm>> -> memref<80x64xf32, #tpu.memory_space<hbm>>
      %dma_wait3A_261 = arith.constant 0 : i32
      %dma_wait3A_262 = arith.constant 0 : i32
      %dma_wait3A_263 = tpu.memref_slice %arg10[%dma_wait3A_252, %dma_wait3A_261, %dma_wait3A_262] : memref<2x80x64xf32, #tpu.memory_space<vmem>> -> memref<1x80x64xf32, #tpu.memory_space<vmem>>
      %dma_wait3A_264 = tpu.memref_squeeze %dma_wait3A_263 : memref<1x80x64xf32, #tpu.memory_space<vmem>> -> memref<80x64xf32, #tpu.memory_space<vmem>>
      %dma_wait3A_265 = arith.constant 0 : i32
      %dma_wait3A_266 = arith.constant 0 : i32
      %dma_wait3A_267 = tpu.memref_slice %arg3[%arg0, %arg1, %add3A_240, %dma_wait3A_265, %dma_wait3A_266] : memref<2x16x250x80x64xf32, #tpu.memory_space<hbm>> -> memref<1x1x1x80x64xf32, #tpu.memory_space<hbm>>
      %dma_wait3A_268 = tpu.memref_squeeze %dma_wait3A_267 : memref<1x1x1x80x64xf32, #tpu.memory_space<hbm>> -> memref<80x64xf32, #tpu.memory_space<hbm>>
      tpu.wait_dma2 semaphore(%arg16 : memref<!tpu.dma_semaphore, #tpu.memory_space<semaphore_mem>>) src(%dma_wait3A_268 : memref<80x64xf32, #tpu.memory_space<hbm>>) dst(%dma_wait3A_264 : memref<80x64xf32, #tpu.memory_space<vmem>>)
      %scan3A_269 = arith.constant 0 : i32
      %scan3A_270 = arith.constant 0 : i32
      %scan3A_271 = arith.constant 80 : i32
      %scan3A_272 = arith.addi %scan3A_270, %scan3A_271 : i32
      %scan3A_273 = arith.constant 1 : i32
      scf.for %scan3A_306 = %scan3A_270 to %scan3A_272 step %scan3A_273  : i32 {
        %get3A = arith.constant 1 : i32
        %get3A_307 = arith.index_cast %get3A : i32 to index
        %get3A_308 = arith.index_cast %scan3A_306 : i32 to index
        %get3A_309 = arith.constant 0 : index
        %get3A_310 = tpu.vector_load %arg9[%get3A_307, %get3A_308, %get3A_309] {strides = array<i32>} : memref<2x80x64xf32, #tpu.memory_space<vmem>>, vector<1x1x16xf32>,
        %get3A_311 = vector.shape_cast %get3A_310 : vector<1x1x16xf32> to vector<16xf32>
        %get3A_312 = arith.constant 1 : i32
        %get3A_313 = arith.index_cast %get3A_312 : i32 to index
        %get3A_314 = arith.index_cast %scan3A_306 : i32 to index
        %get3A_315 = arith.constant 0 : index
        %get3A_316 = tpu.vector_load %arg10[%get3A_313, %get3A_314, %get3A_315] {strides = array<i32>} : memref<2x80x64xf32, #tpu.memory_space<vmem>>, vector<1x1x16xf32>,
        %get3A_317 = vector.shape_cast %get3A_316 : vector<1x1x16xf32> to vector<16xf32>
        %mul3A_318 = arith.mulf %get3A_311, %get3A_317 : vector<16xf32>
        %swap3A = arith.constant 1 : i32
        %swap3A_319 = arith.index_cast %swap3A : i32 to index
        %swap3A_320 = arith.index_cast %scan3A_306 : i32 to index
        %swap3A_321 = arith.constant 0 : index
        %swap3A_322 = tpu.vector_load %arg9[%swap3A_319, %swap3A_320, %swap3A_321] {strides = array<i32>} : memref<2x80x64xf32, #tpu.memory_space<vmem>>, vector<1x1x16xf32>,
        %swap3A_323 = vector.shape_cast %swap3A_322 : vector<1x1x16xf32> to vector<16xf32>
        %swap3A_324 = vector.shape_cast %mul3A_318 : vector<16xf32> to vector<1x1x16xf32>
        tpu.vector_store %arg9[%swap3A_319, %swap3A_320, %swap3A_321], %swap3A_324 {strides = array<i32>} : memref<2x80x64xf32, #tpu.memory_space<vmem>>, vector<1x1x16xf32>,
        %get3A_325 = arith.constant 1 : i32
        %get3A_326 = arith.index_cast %get3A_325 : i32 to index
        %get3A_327 = arith.index_cast %scan3A_306 : i32 to index
        %get3A_328 = arith.constant 16 : index
        %get3A_329 = tpu.vector_load %arg9[%get3A_326, %get3A_327, %get3A_328] {strides = array<i32>} : memref<2x80x64xf32, #tpu.memory_space<vmem>>, vector<1x1x16xf32>,
        %get3A_330 = vector.shape_cast %get3A_329 : vector<1x1x16xf32> to vector<16xf32>
        %get3A_331 = arith.constant 1 : i32
        %get3A_332 = arith.index_cast %get3A_331 : i32 to index
        %get3A_333 = arith.index_cast %scan3A_306 : i32 to index
        %get3A_334 = arith.constant 16 : index
        %get3A_335 = tpu.vector_load %arg10[%get3A_332, %get3A_333, %get3A_334] {strides = array<i32>} : memref<2x80x64xf32, #tpu.memory_space<vmem>>, vector<1x1x16xf32>,
        %get3A_336 = vector.shape_cast %get3A_335 : vector<1x1x16xf32> to vector<16xf32>
        %mul3A_337 = arith.mulf %get3A_330, %get3A_336 : vector<16xf32>
        %swap3A_338 = arith.constant 1 : i32
        %swap3A_339 = arith.index_cast %swap3A_338 : i32 to index
        %swap3A_340 = arith.index_cast %scan3A_306 : i32 to index
        %swap3A_341 = arith.constant 16 : index
        %swap3A_342 = tpu.vector_load %arg9[%swap3A_339, %swap3A_340, %swap3A_341] {strides = array<i32>} : memref<2x80x64xf32, #tpu.memory_space<vmem>>, vector<1x1x16xf32>,
        %swap3A_343 = vector.shape_cast %swap3A_342 : vector<1x1x16xf32> to vector<16xf32>
        %swap3A_344 = vector.shape_cast %mul3A_337 : vector<16xf32> to vector<1x1x16xf32>
        tpu.vector_store %arg9[%swap3A_339, %swap3A_340, %swap3A_341], %swap3A_344 {strides = array<i32>} : memref<2x80x64xf32, #tpu.memory_space<vmem>>, vector<1x1x16xf32>,
        %get3A_345 = arith.constant 1 : i32
        %get3A_346 = arith.index_cast %get3A_345 : i32 to index
        %get3A_347 = arith.index_cast %scan3A_306 : i32 to index
        %get3A_348 = arith.constant 32 : index
        %get3A_349 = tpu.vector_load %arg9[%get3A_346, %get3A_347, %get3A_348] {strides = array<i32>} : memref<2x80x64xf32, #tpu.memory_space<vmem>>, vector<1x1x16xf32>,
        %get3A_350 = vector.shape_cast %get3A_349 : vector<1x1x16xf32> to vector<16xf32>
        %get3A_351 = arith.constant 1 : i32
        %get3A_352 = arith.index_cast %get3A_351 : i32 to index
        %get3A_353 = arith.index_cast %scan3A_306 : i32 to index
        %get3A_354 = arith.constant 32 : index
        %get3A_355 = tpu.vector_load %arg10[%get3A_352, %get3A_353, %get3A_354] {strides = array<i32>} : memref<2x80x64xf32, #tpu.memory_space<vmem>>, vector<1x1x16xf32>,
        %get3A_356 = vector.shape_cast %get3A_355 : vector<1x1x16xf32> to vector<16xf32>
        %mul3A_357 = arith.mulf %get3A_350, %get3A_356 : vector<16xf32>
        %swap3A_358 = arith.constant 1 : i32
        %swap3A_359 = arith.index_cast %swap3A_358 : i32 to index
        %swap3A_360 = arith.index_cast %scan3A_306 : i32 to index
        %swap3A_361 = arith.constant 32 : index
        %swap3A_362 = tpu.vector_load %arg9[%swap3A_359, %swap3A_360, %swap3A_361] {strides = array<i32>} : memref<2x80x64xf32, #tpu.memory_space<vmem>>, vector<1x1x16xf32>,
        %swap3A_363 = vector.shape_cast %swap3A_362 : vector<1x1x16xf32> to vector<16xf32>
        %swap3A_364 = vector.shape_cast %mul3A_357 : vector<16xf32> to vector<1x1x16xf32>
        tpu.vector_store %arg9[%swap3A_359, %swap3A_360, %swap3A_361], %swap3A_364 {strides = array<i32>} : memref<2x80x64xf32, #tpu.memory_space<vmem>>, vector<1x1x16xf32>,
        %get3A_365 = arith.constant 1 : i32
        %get3A_366 = arith.index_cast %get3A_365 : i32 to index
        %get3A_367 = arith.index_cast %scan3A_306 : i32 to index
        %get3A_368 = arith.constant 48 : index
        %get3A_369 = tpu.vector_load %arg9[%get3A_366, %get3A_367, %get3A_368] {strides = array<i32>} : memref<2x80x64xf32, #tpu.memory_space<vmem>>, vector<1x1x16xf32>,
        %get3A_370 = vector.shape_cast %get3A_369 : vector<1x1x16xf32> to vector<16xf32>
        %get3A_371 = arith.constant 1 : i32
        %get3A_372 = arith.index_cast %get3A_371 : i32 to index
        %get3A_373 = arith.index_cast %scan3A_306 : i32 to index
        %get3A_374 = arith.constant 48 : index
        %get3A_375 = tpu.vector_load %arg10[%get3A_372, %get3A_373, %get3A_374] {strides = array<i32>} : memref<2x80x64xf32, #tpu.memory_space<vmem>>, vector<1x1x16xf32>,
        %get3A_376 = vector.shape_cast %get3A_375 : vector<1x1x16xf32> to vector<16xf32>
        %mul3A_377 = arith.mulf %get3A_370, %get3A_376 : vector<16xf32>
        %swap3A_378 = arith.constant 1 : i32
        %swap3A_379 = arith.index_cast %swap3A_378 : i32 to index
        %swap3A_380 = arith.index_cast %scan3A_306 : i32 to index
        %swap3A_381 = arith.constant 48 : index
        %swap3A_382 = tpu.vector_load %arg9[%swap3A_379, %swap3A_380, %swap3A_381] {strides = array<i32>} : memref<2x80x64xf32, #tpu.memory_space<vmem>>, vector<1x1x16xf32>,
        %swap3A_383 = vector.shape_cast %swap3A_382 : vector<1x1x16xf32> to vector<16xf32>
        %swap3A_384 = vector.shape_cast %mul3A_377 : vector<16xf32> to vector<1x1x16xf32>
        tpu.vector_store %arg9[%swap3A_379, %swap3A_380, %swap3A_381], %swap3A_384 {strides = array<i32>} : memref<2x80x64xf32, #tpu.memory_space<vmem>>, vector<1x1x16xf32>,
      }
      %scan3A_274 = arith.constant 80 : i32
      %run_scoped3A_275 = arith.constant 1 : i32
      "tpu.region"() ({
        %run_scoped3A_306 = tpu.sem_alloc : memref<!tpu.dma_semaphore, #tpu.memory_space<semaphore_mem>>
        %dma_start3A_307 = arith.constant 0 : i32
        %dma_start3A_308 = arith.constant 0 : i32
        %dma_start3A_309 = tpu.memref_slice %arg9[%run_scoped3A_275, %dma_start3A_307, %dma_start3A_308] : memref<2x80x64xf32, #tpu.memory_space<vmem>> -> memref<1x80x64xf32, #tpu.memory_space<vmem>>
        %dma_start3A_310 = tpu.memref_squeeze %dma_start3A_309 : memref<1x80x64xf32, #tpu.memory_space<vmem>> -> memref<80x64xf32, #tpu.memory_space<vmem>>
        %dma_start3A_311 = arith.constant 0 : i32
        %dma_start3A_312 = tpu.memref_slice %arg8[%add3A_240, %dma_start3A_311] : memref<250x80xi32, #tpu.memory_space<vmem>> -> memref<1x80xi32, #tpu.memory_space<vmem>>
        %dma_start3A_313 = tpu.memref_squeeze %dma_start3A_312 : memref<1x80xi32, #tpu.memory_space<vmem>> -> memref<80xi32, #tpu.memory_space<vmem>>
        %dma_start3A_314 = arith.constant 0 : i32
        %dma_start3A_315 = arith.constant 0 : i32
        %dma_start3A_316 = tpu.memref_slice %arg12[%dma_start3A_314, %dma_start3A_315] : memref<10240x64xf32, #tpu.memory_space<vmem_shared>> -> memref<10240x64xf32, #tpu.memory_space<vmem_shared>>
        tpu.enqueue_indirect_dma source(%dma_start3A_310 : memref<80x64xf32, #tpu.memory_space<vmem>>) target(%dma_start3A_316 : memref<10240x64xf32, #tpu.memory_space<vmem_shared>>) offsets(%dma_start3A_313 : memref<80xi32, #tpu.memory_space<vmem>>) semaphore(%run_scoped3A_306 : memref<!tpu.dma_semaphore, #tpu.memory_space<semaphore_mem>>) {add = true}
        %dma_wait3A_317 = arith.constant 0 : i32
        %dma_wait3A_318 = arith.constant 0 : i32
        %dma_wait3A_319 = tpu.memref_slice %arg9[%run_scoped3A_275, %dma_wait3A_317, %dma_wait3A_318] : memref<2x80x64xf32, #tpu.memory_space<vmem>> -> memref<1x80x64xf32, #tpu.memory_space<vmem>>
        %dma_wait3A_320 = tpu.memref_squeeze %dma_wait3A_319 : memref<1x80x64xf32, #tpu.memory_space<vmem>> -> memref<80x64xf32, #tpu.memory_space<vmem>>
        %dma_wait3A_321 = arith.constant 0 : i32
        %dma_wait3A_322 = tpu.memref_slice %arg8[%add3A_240, %dma_wait3A_321] : memref<250x80xi32, #tpu.memory_space<vmem>> -> memref<1x80xi32, #tpu.memory_space<vmem>>
        %dma_wait3A_323 = tpu.memref_squeeze %dma_wait3A_322 : memref<1x80xi32, #tpu.memory_space<vmem>> -> memref<80xi32, #tpu.memory_space<vmem>>
        %dma_wait3A_324 = arith.constant 0 : i32
        %dma_wait3A_325 = arith.constant 0 : i32
        %dma_wait3A_326 = tpu.memref_slice %arg12[%dma_wait3A_324, %dma_wait3A_325] : memref<10240x64xf32, #tpu.memory_space<vmem_shared>> -> memref<10240x64xf32, #tpu.memory_space<vmem_shared>>
        tpu.wait_indirect_dma semaphore(%run_scoped3A_306 : memref<!tpu.dma_semaphore, #tpu.memory_space<semaphore_mem>>) src(%dma_wait3A_320 : memref<80x64xf32, #tpu.memory_space<vmem>>) dst(%dma_wait3A_326 : memref<10240x64xf32, #tpu.memory_space<vmem_shared>>)
        tpu.yield
      }) : () -> ()
      %add3A_276 = arith.constant 2 : i32
      %add3A_277 = arith.addi %add3A_240, %add3A_276 : i32
      %dma_start3A_278 = arith.constant 1 : i32
      %dma_start3A_279 = arith.constant 0 : i32
      %dma_start3A_280 = arith.constant 0 : i32
      %dma_start3A_281 = tpu.memref_slice %arg9[%dma_start3A_278, %dma_start3A_279, %dma_start3A_280] : memref<2x80x64xf32, #tpu.memory_space<vmem>> -> memref<1x80x64xf32, #tpu.memory_space<vmem>>
      %dma_start3A_282 = tpu.memref_squeeze %dma_start3A_281 : memref<1x80x64xf32, #tpu.memory_space<vmem>> -> memref<80x64xf32, #tpu.memory_space<vmem>>
      %dma_start3A_283 = arith.constant 0 : i32
      %dma_start3A_284 = tpu.memref_slice %arg7[%add3A_277, %dma_start3A_283] : memref<250x80xi32, #tpu.memory_space<vmem>> -> memref<1x80xi32, #tpu.memory_space<vmem>>
      %dma_start3A_285 = tpu.memref_squeeze %dma_start3A_284 : memref<1x80xi32, #tpu.memory_space<vmem>> -> memref<80xi32, #tpu.memory_space<vmem>>
      %dma_start3A_286 = arith.constant 0 : i32
      %dma_start3A_287 = arith.constant 0 : i32
      %dma_start3A_288 = tpu.memref_slice %arg2[%dma_start3A_286, %dma_start3A_287] : memref<20000x64xf32, #tpu.memory_space<hbm>> -> memref<20000x64xf32, #tpu.memory_space<hbm>>
      tpu.enqueue_indirect_dma source(%dma_start3A_288 : memref<20000x64xf32, #tpu.memory_space<hbm>>) target(%dma_start3A_282 : memref<80x64xf32, #tpu.memory_space<vmem>>) offsets(%dma_start3A_285 : memref<80xi32, #tpu.memory_space<vmem>>) semaphore(%arg14 : memref<!tpu.dma_semaphore, #tpu.memory_space<semaphore_mem>>)
      %dma_start3A_289 = arith.constant 1 : i32
      %dma_start3A_290 = arith.constant 0 : i32
      %dma_start3A_291 = arith.constant 0 : i32
      %dma_start3A_292 = tpu.memref_slice %arg10[%dma_start3A_289, %dma_start3A_290, %dma_start3A_291] : memref<2x80x64xf32, #tpu.memory_space<vmem>> -> memref<1x80x64xf32, #tpu.memory_space<vmem>>
      %dma_start3A_293 = tpu.memref_squeeze %dma_start3A_292 : memref<1x80x64xf32, #tpu.memory_space<vmem>> -> memref<80x64xf32, #tpu.memory_space<vmem>>
      %dma_start3A_294 = arith.constant 0 : i32
      %dma_start3A_295 = arith.constant 0 : i32
      %dma_start3A_296 = tpu.memref_slice %arg3[%arg0, %arg1, %add3A_277, %dma_start3A_294, %dma_start3A_295] : memref<2x16x250x80x64xf32, #tpu.memory_space<hbm>> -> memref<1x1x1x80x64xf32, #tpu.memory_space<hbm>>
      %dma_start3A_297 = tpu.memref_squeeze %dma_start3A_296 : memref<1x1x1x80x64xf32, #tpu.memory_space<hbm>> -> memref<80x64xf32, #tpu.memory_space<hbm>>
      %dma_start3A_298 = arith.constant 0 : i32
      %dma_start3A_299 = arith.constant 0 : i32
      %dma_start3A_300 = tpu.memref_slice %arg10[%dma_start3A_289, %dma_start3A_298, %dma_start3A_299] : memref<2x80x64xf32, #tpu.memory_space<vmem>> -> memref<1x80x64xf32, #tpu.memory_space<vmem>>
      %dma_start3A_301 = tpu.memref_squeeze %dma_start3A_300 : memref<1x80x64xf32, #tpu.memory_space<vmem>> -> memref<80x64xf32, #tpu.memory_space<vmem>>
      %dma_start3A_302 = arith.constant 0 : i32
      %dma_start3A_303 = arith.constant 0 : i32
      %dma_start3A_304 = tpu.memref_slice %arg3[%arg0, %arg1, %add3A_277, %dma_start3A_302, %dma_start3A_303] : memref<2x16x250x80x64xf32, #tpu.memory_space<hbm>> -> memref<1x1x1x80x64xf32, #tpu.memory_space<hbm>>
      %dma_start3A_305 = tpu.memref_squeeze %dma_start3A_304 : memref<1x1x1x80x64xf32, #tpu.memory_space<hbm>> -> memref<80x64xf32, #tpu.memory_space<hbm>>
      tpu.enqueue_dma source(%dma_start3A_305 : memref<80x64xf32, #tpu.memory_space<hbm>>) target(%dma_start3A_301 : memref<80x64xf32, #tpu.memory_space<vmem>>) target_semaphore(%arg16 : memref<!tpu.dma_semaphore, #tpu.memory_space<semaphore_mem>>)
    }
    %scan3A_93 = arith.constant 124 : i32
    %dma_wait3A = arith.constant 248 : i32
    %dma_wait3A_94 = arith.constant 0 : i32
    %dma_wait3A_95 = arith.constant 0 : i32
    %dma_wait3A_96 = arith.constant 0 : i32
    %dma_wait3A_97 = tpu.memref_slice %arg9[%dma_wait3A_94, %dma_wait3A_95, %dma_wait3A_96] : memref<2x80x64xf32, #tpu.memory_space<vmem>> -> memref<1x80x64xf32, #tpu.memory_space<vmem>>
    %dma_wait3A_98 = tpu.memref_squeeze %dma_wait3A_97 : memref<1x80x64xf32, #tpu.memory_space<vmem>> -> memref<80x64xf32, #tpu.memory_space<vmem>>
    %dma_wait3A_99 = arith.constant 0 : i32
    %dma_wait3A_100 = tpu.memref_slice %arg7[%dma_wait3A, %dma_wait3A_99] : memref<250x80xi32, #tpu.memory_space<vmem>> -> memref<1x80xi32, #tpu.memory_space<vmem>>
    %dma_wait3A_101 = tpu.memref_squeeze %dma_wait3A_100 : memref<1x80xi32, #tpu.memory_space<vmem>> -> memref<80xi32, #tpu.memory_space<vmem>>
    %dma_wait3A_102 = arith.constant 0 : i32
    %dma_wait3A_103 = arith.constant 0 : i32
    %dma_wait3A_104 = tpu.memref_slice %arg2[%dma_wait3A_102, %dma_wait3A_103] : memref<20000x64xf32, #tpu.memory_space<hbm>> -> memref<20000x64xf32, #tpu.memory_space<hbm>>
    tpu.wait_indirect_dma semaphore(%arg13 : memref<!tpu.dma_semaphore, #tpu.memory_space<semaphore_mem>>) src(%dma_wait3A_104 : memref<20000x64xf32, #tpu.memory_space<hbm>>) dst(%dma_wait3A_98 : memref<80x64xf32, #tpu.memory_space<vmem>>)
    %dma_wait3A_105 = arith.constant 248 : i32
    %dma_wait3A_106 = arith.constant 0 : i32
    %dma_wait3A_107 = arith.constant 0 : i32
    %dma_wait3A_108 = arith.constant 0 : i32
    %dma_wait3A_109 = tpu.memref_slice %arg10[%dma_wait3A_106, %dma_wait3A_107, %dma_wait3A_108] : memref<2x80x64xf32, #tpu.memory_space<vmem>> -> memref<1x80x64xf32, #tpu.memory_space<vmem>>
    %dma_wait3A_110 = tpu.memref_squeeze %dma_wait3A_109 : memref<1x80x64xf32, #tpu.memory_space<vmem>> -> memref<80x64xf32, #tpu.memory_space<vmem>>
    %dma_wait3A_111 = arith.constant 0 : i32
    %dma_wait3A_112 = arith.constant 0 : i32
    %dma_wait3A_113 = tpu.memref_slice %arg3[%arg0, %arg1, %dma_wait3A_105, %dma_wait3A_111, %dma_wait3A_112] : memref<2x16x250x80x64xf32, #tpu.memory_space<hbm>> -> memref<1x1x1x80x64xf32, #tpu.memory_space<hbm>>
    %dma_wait3A_114 = tpu.memref_squeeze %dma_wait3A_113 : memref<1x1x1x80x64xf32, #tpu.memory_space<hbm>> -> memref<80x64xf32, #tpu.memory_space<hbm>>
    %dma_wait3A_115 = arith.constant 0 : i32
    %dma_wait3A_116 = arith.constant 0 : i32
    %dma_wait3A_117 = tpu.memref_slice %arg10[%dma_wait3A_106, %dma_wait3A_115, %dma_wait3A_116] : memref<2x80x64xf32, #tpu.memory_space<vmem>> -> memref<1x80x64xf32, #tpu.memory_space<vmem>>
    %dma_wait3A_118 = tpu.memref_squeeze %dma_wait3A_117 : memref<1x80x64xf32, #tpu.memory_space<vmem>> -> memref<80x64xf32, #tpu.memory_space<vmem>>
    %dma_wait3A_119 = arith.constant 0 : i32
    %dma_wait3A_120 = arith.constant 0 : i32
    %dma_wait3A_121 = tpu.memref_slice %arg3[%arg0, %arg1, %dma_wait3A_105, %dma_wait3A_119, %dma_wait3A_120] : memref<2x16x250x80x64xf32, #tpu.memory_space<hbm>> -> memref<1x1x1x80x64xf32, #tpu.memory_space<hbm>>
    %dma_wait3A_122 = tpu.memref_squeeze %dma_wait3A_121 : memref<1x1x1x80x64xf32, #tpu.memory_space<hbm>> -> memref<80x64xf32, #tpu.memory_space<hbm>>
    tpu.wait_dma2 semaphore(%arg15 : memref<!tpu.dma_semaphore, #tpu.memory_space<semaphore_mem>>) src(%dma_wait3A_122 : memref<80x64xf32, #tpu.memory_space<hbm>>) dst(%dma_wait3A_118 : memref<80x64xf32, #tpu.memory_space<vmem>>)
    %scan3A_123 = arith.constant 0 : i32
    %scan3A_124 = arith.constant 0 : i32
    %scan3A_125 = arith.constant 80 : i32
    %scan3A_126 = arith.addi %scan3A_124, %scan3A_125 : i32
    %scan3A_127 = arith.constant 1 : i32
    scf.for %scan3A_169 = %scan3A_124 to %scan3A_126 step %scan3A_127  : i32 {
      %get3A = arith.constant 0 : i32
      %get3A_170 = arith.index_cast %get3A : i32 to index
      %get3A_171 = arith.index_cast %scan3A_169 : i32 to index
      %get3A_172 = arith.constant 0 : index
      %get3A_173 = tpu.vector_load %arg9[%get3A_170, %get3A_171, %get3A_172] {strides = array<i32>} : memref<2x80x64xf32, #tpu.memory_space<vmem>>, vector<1x1x16xf32>,
      %get3A_174 = vector.shape_cast %get3A_173 : vector<1x1x16xf32> to vector<16xf32>
      %get3A_175 = arith.constant 0 : i32
      %get3A_176 = arith.index_cast %get3A_175 : i32 to index
      %get3A_177 = arith.index_cast %scan3A_169 : i32 to index
      %get3A_178 = arith.constant 0 : index
      %get3A_179 = tpu.vector_load %arg10[%get3A_176, %get3A_177, %get3A_178] {strides = array<i32>} : memref<2x80x64xf32, #tpu.memory_space<vmem>>, vector<1x1x16xf32>,
      %get3A_180 = vector.shape_cast %get3A_179 : vector<1x1x16xf32> to vector<16xf32>
      %mul3A_181 = arith.mulf %get3A_174, %get3A_180 : vector<16xf32>
      %swap3A = arith.constant 0 : i32
      %swap3A_182 = arith.index_cast %swap3A : i32 to index
      %swap3A_183 = arith.index_cast %scan3A_169 : i32 to index
      %swap3A_184 = arith.constant 0 : index
      %swap3A_185 = tpu.vector_load %arg9[%swap3A_182, %swap3A_183, %swap3A_184] {strides = array<i32>} : memref<2x80x64xf32, #tpu.memory_space<vmem>>, vector<1x1x16xf32>,
      %swap3A_186 = vector.shape_cast %swap3A_185 : vector<1x1x16xf32> to vector<16xf32>
      %swap3A_187 = vector.shape_cast %mul3A_181 : vector<16xf32> to vector<1x1x16xf32>
      tpu.vector_store %arg9[%swap3A_182, %swap3A_183, %swap3A_184], %swap3A_187 {strides = array<i32>} : memref<2x80x64xf32, #tpu.memory_space<vmem>>, vector<1x1x16xf32>,
      %get3A_188 = arith.constant 0 : i32
      %get3A_189 = arith.index_cast %get3A_188 : i32 to index
      %get3A_190 = arith.index_cast %scan3A_169 : i32 to index
      %get3A_191 = arith.constant 16 : index
      %get3A_192 = tpu.vector_load %arg9[%get3A_189, %get3A_190, %get3A_191] {strides = array<i32>} : memref<2x80x64xf32, #tpu.memory_space<vmem>>, vector<1x1x16xf32>,
      %get3A_193 = vector.shape_cast %get3A_192 : vector<1x1x16xf32> to vector<16xf32>
      %get3A_194 = arith.constant 0 : i32
      %get3A_195 = arith.index_cast %get3A_194 : i32 to index
      %get3A_196 = arith.index_cast %scan3A_169 : i32 to index
      %get3A_197 = arith.constant 16 : index
      %get3A_198 = tpu.vector_load %arg10[%get3A_195, %get3A_196, %get3A_197] {strides = array<i32>} : memref<2x80x64xf32, #tpu.memory_space<vmem>>, vector<1x1x16xf32>,
      %get3A_199 = vector.shape_cast %get3A_198 : vector<1x1x16xf32> to vector<16xf32>
      %mul3A_200 = arith.mulf %get3A_193, %get3A_199 : vector<16xf32>
      %swap3A_201 = arith.constant 0 : i32
      %swap3A_202 = arith.index_cast %swap3A_201 : i32 to index
      %swap3A_203 = arith.index_cast %scan3A_169 : i32 to index
      %swap3A_204 = arith.constant 16 : index
      %swap3A_205 = tpu.vector_load %arg9[%swap3A_202, %swap3A_203, %swap3A_204] {strides = array<i32>} : memref<2x80x64xf32, #tpu.memory_space<vmem>>, vector<1x1x16xf32>,
      %swap3A_206 = vector.shape_cast %swap3A_205 : vector<1x1x16xf32> to vector<16xf32>
      %swap3A_207 = vector.shape_cast %mul3A_200 : vector<16xf32> to vector<1x1x16xf32>
      tpu.vector_store %arg9[%swap3A_202, %swap3A_203, %swap3A_204], %swap3A_207 {strides = array<i32>} : memref<2x80x64xf32, #tpu.memory_space<vmem>>, vector<1x1x16xf32>,
      %get3A_208 = arith.constant 0 : i32
      %get3A_209 = arith.index_cast %get3A_208 : i32 to index
      %get3A_210 = arith.index_cast %scan3A_169 : i32 to index
      %get3A_211 = arith.constant 32 : index
      %get3A_212 = tpu.vector_load %arg9[%get3A_209, %get3A_210, %get3A_211] {strides = array<i32>} : memref<2x80x64xf32, #tpu.memory_space<vmem>>, vector<1x1x16xf32>,
      %get3A_213 = vector.shape_cast %get3A_212 : vector<1x1x16xf32> to vector<16xf32>
      %get3A_214 = arith.constant 0 : i32
      %get3A_215 = arith.index_cast %get3A_214 : i32 to index
      %get3A_216 = arith.index_cast %scan3A_169 : i32 to index
      %get3A_217 = arith.constant 32 : index
      %get3A_218 = tpu.vector_load %arg10[%get3A_215, %get3A_216, %get3A_217] {strides = array<i32>} : memref<2x80x64xf32, #tpu.memory_space<vmem>>, vector<1x1x16xf32>,
      %get3A_219 = vector.shape_cast %get3A_218 : vector<1x1x16xf32> to vector<16xf32>
      %mul3A_220 = arith.mulf %get3A_213, %get3A_219 : vector<16xf32>
      %swap3A_221 = arith.constant 0 : i32
      %swap3A_222 = arith.index_cast %swap3A_221 : i32 to index
      %swap3A_223 = arith.index_cast %scan3A_169 : i32 to index
      %swap3A_224 = arith.constant 32 : index
      %swap3A_225 = tpu.vector_load %arg9[%swap3A_222, %swap3A_223, %swap3A_224] {strides = array<i32>} : memref<2x80x64xf32, #tpu.memory_space<vmem>>, vector<1x1x16xf32>,
      %swap3A_226 = vector.shape_cast %swap3A_225 : vector<1x1x16xf32> to vector<16xf32>
      %swap3A_227 = vector.shape_cast %mul3A_220 : vector<16xf32> to vector<1x1x16xf32>
      tpu.vector_store %arg9[%swap3A_222, %swap3A_223, %swap3A_224], %swap3A_227 {strides = array<i32>} : memref<2x80x64xf32, #tpu.memory_space<vmem>>, vector<1x1x16xf32>,
      %get3A_228 = arith.constant 0 : i32
      %get3A_229 = arith.index_cast %get3A_228 : i32 to index
      %get3A_230 = arith.index_cast %scan3A_169 : i32 to index
      %get3A_231 = arith.constant 48 : index
      %get3A_232 = tpu.vector_load %arg9[%get3A_229, %get3A_230, %get3A_231] {strides = array<i32>} : memref<2x80x64xf32, #tpu.memory_space<vmem>>, vector<1x1x16xf32>,
      %get3A_233 = vector.shape_cast %get3A_232 : vector<1x1x16xf32> to vector<16xf32>
      %get3A_234 = arith.constant 0 : i32
      %get3A_235 = arith.index_cast %get3A_234 : i32 to index
      %get3A_236 = arith.index_cast %scan3A_169 : i32 to index
      %get3A_237 = arith.constant 48 : index
      %get3A_238 = tpu.vector_load %arg10[%get3A_235, %get3A_236, %get3A_237] {strides = array<i32>} : memref<2x80x64xf32, #tpu.memory_space<vmem>>, vector<1x1x16xf32>,
      %get3A_239 = vector.shape_cast %get3A_238 : vector<1x1x16xf32> to vector<16xf32>
      %mul3A_240 = arith.mulf %get3A_233, %get3A_239 : vector<16xf32>
      %swap3A_241 = arith.constant 0 : i32
      %swap3A_242 = arith.index_cast %swap3A_241 : i32 to index
      %swap3A_243 = arith.index_cast %scan3A_169 : i32 to index
      %swap3A_244 = arith.constant 48 : index
      %swap3A_245 = tpu.vector_load %arg9[%swap3A_242, %swap3A_243, %swap3A_244] {strides = array<i32>} : memref<2x80x64xf32, #tpu.memory_space<vmem>>, vector<1x1x16xf32>,
      %swap3A_246 = vector.shape_cast %swap3A_245 : vector<1x1x16xf32> to vector<16xf32>
      %swap3A_247 = vector.shape_cast %mul3A_240 : vector<16xf32> to vector<1x1x16xf32>
      tpu.vector_store %arg9[%swap3A_242, %swap3A_243, %swap3A_244], %swap3A_247 {strides = array<i32>} : memref<2x80x64xf32, #tpu.memory_space<vmem>>, vector<1x1x16xf32>,
    }
    %scan3A_128 = arith.constant 80 : i32
    %run_scoped3A = arith.constant 0 : i32
    %run_scoped3A_129 = arith.constant 248 : i32
    "tpu.region"() ({
      %run_scoped3A_169 = tpu.sem_alloc : memref<!tpu.dma_semaphore, #tpu.memory_space<semaphore_mem>>
      %dma_start3A_170 = arith.constant 0 : i32
      %dma_start3A_171 = arith.constant 0 : i32
      %dma_start3A_172 = tpu.memref_slice %arg9[%run_scoped3A, %dma_start3A_170, %dma_start3A_171] : memref<2x80x64xf32, #tpu.memory_space<vmem>> -> memref<1x80x64xf32, #tpu.memory_space<vmem>>
      %dma_start3A_173 = tpu.memref_squeeze %dma_start3A_172 : memref<1x80x64xf32, #tpu.memory_space<vmem>> -> memref<80x64xf32, #tpu.memory_space<vmem>>
      %dma_start3A_174 = arith.constant 0 : i32
      %dma_start3A_175 = tpu.memref_slice %arg8[%run_scoped3A_129, %dma_start3A_174] : memref<250x80xi32, #tpu.memory_space<vmem>> -> memref<1x80xi32, #tpu.memory_space<vmem>>
      %dma_start3A_176 = tpu.memref_squeeze %dma_start3A_175 : memref<1x80xi32, #tpu.memory_space<vmem>> -> memref<80xi32, #tpu.memory_space<vmem>>
      %dma_start3A_177 = arith.constant 0 : i32
      %dma_start3A_178 = arith.constant 0 : i32
      %dma_start3A_179 = tpu.memref_slice %arg12[%dma_start3A_177, %dma_start3A_178] : memref<10240x64xf32, #tpu.memory_space<vmem_shared>> -> memref<10240x64xf32, #tpu.memory_space<vmem_shared>>
      tpu.enqueue_indirect_dma source(%dma_start3A_173 : memref<80x64xf32, #tpu.memory_space<vmem>>) target(%dma_start3A_179 : memref<10240x64xf32, #tpu.memory_space<vmem_shared>>) offsets(%dma_start3A_176 : memref<80xi32, #tpu.memory_space<vmem>>) semaphore(%run_scoped3A_169 : memref<!tpu.dma_semaphore, #tpu.memory_space<semaphore_mem>>) {add = true}
      %dma_wait3A_180 = arith.constant 0 : i32
      %dma_wait3A_181 = arith.constant 0 : i32
      %dma_wait3A_182 = tpu.memref_slice %arg9[%run_scoped3A, %dma_wait3A_180, %dma_wait3A_181] : memref<2x80x64xf32, #tpu.memory_space<vmem>> -> memref<1x80x64xf32, #tpu.memory_space<vmem>>
      %dma_wait3A_183 = tpu.memref_squeeze %dma_wait3A_182 : memref<1x80x64xf32, #tpu.memory_space<vmem>> -> memref<80x64xf32, #tpu.memory_space<vmem>>
      %dma_wait3A_184 = arith.constant 0 : i32
      %dma_wait3A_185 = tpu.memref_slice %arg8[%run_scoped3A_129, %dma_wait3A_184] : memref<250x80xi32, #tpu.memory_space<vmem>> -> memref<1x80xi32, #tpu.memory_space<vmem>>
      %dma_wait3A_186 = tpu.memref_squeeze %dma_wait3A_185 : memref<1x80xi32, #tpu.memory_space<vmem>> -> memref<80xi32, #tpu.memory_space<vmem>>
      %dma_wait3A_187 = arith.constant 0 : i32
      %dma_wait3A_188 = arith.constant 0 : i32
      %dma_wait3A_189 = tpu.memref_slice %arg12[%dma_wait3A_187, %dma_wait3A_188] : memref<10240x64xf32, #tpu.memory_space<vmem_shared>> -> memref<10240x64xf32, #tpu.memory_space<vmem_shared>>
      tpu.wait_indirect_dma semaphore(%run_scoped3A_169 : memref<!tpu.dma_semaphore, #tpu.memory_space<semaphore_mem>>) src(%dma_wait3A_183 : memref<80x64xf32, #tpu.memory_space<vmem>>) dst(%dma_wait3A_189 : memref<10240x64xf32, #tpu.memory_space<vmem_shared>>)
      tpu.yield
    }) : () -> ()
    %dma_wait3A_130 = arith.constant 249 : i32
    %dma_wait3A_131 = arith.constant 1 : i32
    %dma_wait3A_132 = arith.constant 0 : i32
    %dma_wait3A_133 = arith.constant 0 : i32
    %dma_wait3A_134 = tpu.memref_slice %arg9[%dma_wait3A_131, %dma_wait3A_132, %dma_wait3A_133] : memref<2x80x64xf32, #tpu.memory_space<vmem>> -> memref<1x80x64xf32, #tpu.memory_space<vmem>>
    %dma_wait3A_135 = tpu.memref_squeeze %dma_wait3A_134 : memref<1x80x64xf32, #tpu.memory_space<vmem>> -> memref<80x64xf32, #tpu.memory_space<vmem>>
    %dma_wait3A_136 = arith.constant 0 : i32
    %dma_wait3A_137 = tpu.memref_slice %arg7[%dma_wait3A_130, %dma_wait3A_136] : memref<250x80xi32, #tpu.memory_space<vmem>> -> memref<1x80xi32, #tpu.memory_space<vmem>>
    %dma_wait3A_138 = tpu.memref_squeeze %dma_wait3A_137 : memref<1x80xi32, #tpu.memory_space<vmem>> -> memref<80xi32, #tpu.memory_space<vmem>>
    %dma_wait3A_139 = arith.constant 0 : i32
    %dma_wait3A_140 = arith.constant 0 : i32
    %dma_wait3A_141 = tpu.memref_slice %arg2[%dma_wait3A_139, %dma_wait3A_140] : memref<20000x64xf32, #tpu.memory_space<hbm>> -> memref<20000x64xf32, #tpu.memory_space<hbm>>
    tpu.wait_indirect_dma semaphore(%arg14 : memref<!tpu.dma_semaphore, #tpu.memory_space<semaphore_mem>>) src(%dma_wait3A_141 : memref<20000x64xf32, #tpu.memory_space<hbm>>) dst(%dma_wait3A_135 : memref<80x64xf32, #tpu.memory_space<vmem>>)
    %dma_wait3A_142 = arith.constant 249 : i32
    %dma_wait3A_143 = arith.constant 1 : i32
    %dma_wait3A_144 = arith.constant 0 : i32
    %dma_wait3A_145 = arith.constant 0 : i32
    %dma_wait3A_146 = tpu.memref_slice %arg10[%dma_wait3A_143, %dma_wait3A_144, %dma_wait3A_145] : memref<2x80x64xf32, #tpu.memory_space<vmem>> -> memref<1x80x64xf32, #tpu.memory_space<vmem>>
    %dma_wait3A_147 = tpu.memref_squeeze %dma_wait3A_146 : memref<1x80x64xf32, #tpu.memory_space<vmem>> -> memref<80x64xf32, #tpu.memory_space<vmem>>
    %dma_wait3A_148 = arith.constant 0 : i32
    %dma_wait3A_149 = arith.constant 0 : i32
    %dma_wait3A_150 = tpu.memref_slice %arg3[%arg0, %arg1, %dma_wait3A_142, %dma_wait3A_148, %dma_wait3A_149] : memref<2x16x250x80x64xf32, #tpu.memory_space<hbm>> -> memref<1x1x1x80x64xf32, #tpu.memory_space<hbm>>
    %dma_wait3A_151 = tpu.memref_squeeze %dma_wait3A_150 : memref<1x1x1x80x64xf32, #tpu.memory_space<hbm>> -> memref<80x64xf32, #tpu.memory_space<hbm>>
    %dma_wait3A_152 = arith.constant 0 : i32
    %dma_wait3A_153 = arith.constant 0 : i32
    %dma_wait3A_154 = tpu.memref_slice %arg10[%dma_wait3A_143, %dma_wait3A_152, %dma_wait3A_153] : memref<2x80x64xf32, #tpu.memory_space<vmem>> -> memref<1x80x64xf32, #tpu.memory_space<vmem>>
    %dma_wait3A_155 = tpu.memref_squeeze %dma_wait3A_154 : memref<1x80x64xf32, #tpu.memory_space<vmem>> -> memref<80x64xf32, #tpu.memory_space<vmem>>
    %dma_wait3A_156 = arith.constant 0 : i32
    %dma_wait3A_157 = arith.constant 0 : i32
    %dma_wait3A_158 = tpu.memref_slice %arg3[%arg0, %arg1, %dma_wait3A_142, %dma_wait3A_156, %dma_wait3A_157] : memref<2x16x250x80x64xf32, #tpu.memory_space<hbm>> -> memref<1x1x1x80x64xf32, #tpu.memory_space<hbm>>
    %dma_wait3A_159 = tpu.memref_squeeze %dma_wait3A_158 : memref<1x1x1x80x64xf32, #tpu.memory_space<hbm>> -> memref<80x64xf32, #tpu.memory_space<hbm>>
    tpu.wait_dma2 semaphore(%arg16 : memref<!tpu.dma_semaphore, #tpu.memory_space<semaphore_mem>>) src(%dma_wait3A_159 : memref<80x64xf32, #tpu.memory_space<hbm>>) dst(%dma_wait3A_155 : memref<80x64xf32, #tpu.memory_space<vmem>>)
    %scan3A_160 = arith.constant 0 : i32
    %scan3A_161 = arith.constant 0 : i32
    %scan3A_162 = arith.constant 80 : i32
    %scan3A_163 = arith.addi %scan3A_161, %scan3A_162 : i32
    %scan3A_164 = arith.constant 1 : i32
    scf.for %scan3A_169 = %scan3A_161 to %scan3A_163 step %scan3A_164  : i32 {
      %get3A = arith.constant 1 : i32
      %get3A_170 = arith.index_cast %get3A : i32 to index
      %get3A_171 = arith.index_cast %scan3A_169 : i32 to index
      %get3A_172 = arith.constant 0 : index
      %get3A_173 = tpu.vector_load %arg9[%get3A_170, %get3A_171, %get3A_172] {strides = array<i32>} : memref<2x80x64xf32, #tpu.memory_space<vmem>>, vector<1x1x16xf32>,
      %get3A_174 = vector.shape_cast %get3A_173 : vector<1x1x16xf32> to vector<16xf32>
      %get3A_175 = arith.constant 1 : i32
      %get3A_176 = arith.index_cast %get3A_175 : i32 to index
      %get3A_177 = arith.index_cast %scan3A_169 : i32 to index
      %get3A_178 = arith.constant 0 : index
      %get3A_179 = tpu.vector_load %arg10[%get3A_176, %get3A_177, %get3A_178] {strides = array<i32>} : memref<2x80x64xf32, #tpu.memory_space<vmem>>, vector<1x1x16xf32>,
      %get3A_180 = vector.shape_cast %get3A_179 : vector<1x1x16xf32> to vector<16xf32>
      %mul3A_181 = arith.mulf %get3A_174, %get3A_180 : vector<16xf32>
      %swap3A = arith.constant 1 : i32
      %swap3A_182 = arith.index_cast %swap3A : i32 to index
      %swap3A_183 = arith.index_cast %scan3A_169 : i32 to index
      %swap3A_184 = arith.constant 0 : index
      %swap3A_185 = tpu.vector_load %arg9[%swap3A_182, %swap3A_183, %swap3A_184] {strides = array<i32>} : memref<2x80x64xf32, #tpu.memory_space<vmem>>, vector<1x1x16xf32>,
      %swap3A_186 = vector.shape_cast %swap3A_185 : vector<1x1x16xf32> to vector<16xf32>
      %swap3A_187 = vector.shape_cast %mul3A_181 : vector<16xf32> to vector<1x1x16xf32>
      tpu.vector_store %arg9[%swap3A_182, %swap3A_183, %swap3A_184], %swap3A_187 {strides = array<i32>} : memref<2x80x64xf32, #tpu.memory_space<vmem>>, vector<1x1x16xf32>,
      %get3A_188 = arith.constant 1 : i32
      %get3A_189 = arith.index_cast %get3A_188 : i32 to index
      %get3A_190 = arith.index_cast %scan3A_169 : i32 to index
      %get3A_191 = arith.constant 16 : index
      %get3A_192 = tpu.vector_load %arg9[%get3A_189, %get3A_190, %get3A_191] {strides = array<i32>} : memref<2x80x64xf32, #tpu.memory_space<vmem>>, vector<1x1x16xf32>,
      %get3A_193 = vector.shape_cast %get3A_192 : vector<1x1x16xf32> to vector<16xf32>
      %get3A_194 = arith.constant 1 : i32
      %get3A_195 = arith.index_cast %get3A_194 : i32 to index
      %get3A_196 = arith.index_cast %scan3A_169 : i32 to index
      %get3A_197 = arith.constant 16 : index
      %get3A_198 = tpu.vector_load %arg10[%get3A_195, %get3A_196, %get3A_197] {strides = array<i32>} : memref<2x80x64xf32, #tpu.memory_space<vmem>>, vector<1x1x16xf32>,
      %get3A_199 = vector.shape_cast %get3A_198 : vector<1x1x16xf32> to vector<16xf32>
      %mul3A_200 = arith.mulf %get3A_193, %get3A_199 : vector<16xf32>
      %swap3A_201 = arith.constant 1 : i32
      %swap3A_202 = arith.index_cast %swap3A_201 : i32 to index
      %swap3A_203 = arith.index_cast %scan3A_169 : i32 to index
      %swap3A_204 = arith.constant 16 : index
      %swap3A_205 = tpu.vector_load %arg9[%swap3A_202, %swap3A_203, %swap3A_204] {strides = array<i32>} : memref<2x80x64xf32, #tpu.memory_space<vmem>>, vector<1x1x16xf32>,
      %swap3A_206 = vector.shape_cast %swap3A_205 : vector<1x1x16xf32> to vector<16xf32>
      %swap3A_207 = vector.shape_cast %mul3A_200 : vector<16xf32> to vector<1x1x16xf32>
      tpu.vector_store %arg9[%swap3A_202, %swap3A_203, %swap3A_204], %swap3A_207 {strides = array<i32>} : memref<2x80x64xf32, #tpu.memory_space<vmem>>, vector<1x1x16xf32>,
      %get3A_208 = arith.constant 1 : i32
      %get3A_209 = arith.index_cast %get3A_208 : i32 to index
      %get3A_210 = arith.index_cast %scan3A_169 : i32 to index
      %get3A_211 = arith.constant 32 : index
      %get3A_212 = tpu.vector_load %arg9[%get3A_209, %get3A_210, %get3A_211] {strides = array<i32>} : memref<2x80x64xf32, #tpu.memory_space<vmem>>, vector<1x1x16xf32>,
      %get3A_213 = vector.shape_cast %get3A_212 : vector<1x1x16xf32> to vector<16xf32>
      %get3A_214 = arith.constant 1 : i32
      %get3A_215 = arith.index_cast %get3A_214 : i32 to index
      %get3A_216 = arith.index_cast %scan3A_169 : i32 to index
      %get3A_217 = arith.constant 32 : index
      %get3A_218 = tpu.vector_load %arg10[%get3A_215, %get3A_216, %get3A_217] {strides = array<i32>} : memref<2x80x64xf32, #tpu.memory_space<vmem>>, vector<1x1x16xf32>,
      %get3A_219 = vector.shape_cast %get3A_218 : vector<1x1x16xf32> to vector<16xf32>
      %mul3A_220 = arith.mulf %get3A_213, %get3A_219 : vector<16xf32>
      %swap3A_221 = arith.constant 1 : i32
      %swap3A_222 = arith.index_cast %swap3A_221 : i32 to index
      %swap3A_223 = arith.index_cast %scan3A_169 : i32 to index
      %swap3A_224 = arith.constant 32 : index
      %swap3A_225 = tpu.vector_load %arg9[%swap3A_222, %swap3A_223, %swap3A_224] {strides = array<i32>} : memref<2x80x64xf32, #tpu.memory_space<vmem>>, vector<1x1x16xf32>,
      %swap3A_226 = vector.shape_cast %swap3A_225 : vector<1x1x16xf32> to vector<16xf32>
      %swap3A_227 = vector.shape_cast %mul3A_220 : vector<16xf32> to vector<1x1x16xf32>
      tpu.vector_store %arg9[%swap3A_222, %swap3A_223, %swap3A_224], %swap3A_227 {strides = array<i32>} : memref<2x80x64xf32, #tpu.memory_space<vmem>>, vector<1x1x16xf32>,
      %get3A_228 = arith.constant 1 : i32
      %get3A_229 = arith.index_cast %get3A_228 : i32 to index
      %get3A_230 = arith.index_cast %scan3A_169 : i32 to index
      %get3A_231 = arith.constant 48 : index
      %get3A_232 = tpu.vector_load %arg9[%get3A_229, %get3A_230, %get3A_231] {strides = array<i32>} : memref<2x80x64xf32, #tpu.memory_space<vmem>>, vector<1x1x16xf32>,
      %get3A_233 = vector.shape_cast %get3A_232 : vector<1x1x16xf32> to vector<16xf32>
      %get3A_234 = arith.constant 1 : i32
      %get3A_235 = arith.index_cast %get3A_234 : i32 to index
      %get3A_236 = arith.index_cast %scan3A_169 : i32 to index
      %get3A_237 = arith.constant 48 : index
      %get3A_238 = tpu.vector_load %arg10[%get3A_235, %get3A_236, %get3A_237] {strides = array<i32>} : memref<2x80x64xf32, #tpu.memory_space<vmem>>, vector<1x1x16xf32>,
      %get3A_239 = vector.shape_cast %get3A_238 : vector<1x1x16xf32> to vector<16xf32>
      %mul3A_240 = arith.mulf %get3A_233, %get3A_239 : vector<16xf32>
      %swap3A_241 = arith.constant 1 : i32
      %swap3A_242 = arith.index_cast %swap3A_241 : i32 to index
      %swap3A_243 = arith.index_cast %scan3A_169 : i32 to index
      %swap3A_244 = arith.constant 48 : index
      %swap3A_245 = tpu.vector_load %arg9[%swap3A_242, %swap3A_243, %swap3A_244] {strides = array<i32>} : memref<2x80x64xf32, #tpu.memory_space<vmem>>, vector<1x1x16xf32>,
      %swap3A_246 = vector.shape_cast %swap3A_245 : vector<1x1x16xf32> to vector<16xf32>
      %swap3A_247 = vector.shape_cast %mul3A_240 : vector<16xf32> to vector<1x1x16xf32>
      tpu.vector_store %arg9[%swap3A_242, %swap3A_243, %swap3A_244], %swap3A_247 {strides = array<i32>} : memref<2x80x64xf32, #tpu.memory_space<vmem>>, vector<1x1x16xf32>,
    }
    %scan3A_165 = arith.constant 80 : i32
    %run_scoped3A_166 = arith.constant 1 : i32
    %run_scoped3A_167 = arith.constant 249 : i32
    "tpu.region"() ({
      %run_scoped3A_169 = tpu.sem_alloc : memref<!tpu.dma_semaphore, #tpu.memory_space<semaphore_mem>>
      %dma_start3A_170 = arith.constant 0 : i32
      %dma_start3A_171 = arith.constant 0 : i32
      %dma_start3A_172 = tpu.memref_slice %arg9[%run_scoped3A_166, %dma_start3A_170, %dma_start3A_171] : memref<2x80x64xf32, #tpu.memory_space<vmem>> -> memref<1x80x64xf32, #tpu.memory_space<vmem>>
      %dma_start3A_173 = tpu.memref_squeeze %dma_start3A_172 : memref<1x80x64xf32, #tpu.memory_space<vmem>> -> memref<80x64xf32, #tpu.memory_space<vmem>>
      %dma_start3A_174 = arith.constant 0 : i32
      %dma_start3A_175 = tpu.memref_slice %arg8[%run_scoped3A_167, %dma_start3A_174] : memref<250x80xi32, #tpu.memory_space<vmem>> -> memref<1x80xi32, #tpu.memory_space<vmem>>
      %dma_start3A_176 = tpu.memref_squeeze %dma_start3A_175 : memref<1x80xi32, #tpu.memory_space<vmem>> -> memref<80xi32, #tpu.memory_space<vmem>>
      %dma_start3A_177 = arith.constant 0 : i32
      %dma_start3A_178 = arith.constant 0 : i32
      %dma_start3A_179 = tpu.memref_slice %arg12[%dma_start3A_177, %dma_start3A_178] : memref<10240x64xf32, #tpu.memory_space<vmem_shared>> -> memref<10240x64xf32, #tpu.memory_space<vmem_shared>>
      tpu.enqueue_indirect_dma source(%dma_start3A_173 : memref<80x64xf32, #tpu.memory_space<vmem>>) target(%dma_start3A_179 : memref<10240x64xf32, #tpu.memory_space<vmem_shared>>) offsets(%dma_start3A_176 : memref<80xi32, #tpu.memory_space<vmem>>) semaphore(%run_scoped3A_169 : memref<!tpu.dma_semaphore, #tpu.memory_space<semaphore_mem>>) {add = true}
      %dma_wait3A_180 = arith.constant 0 : i32
      %dma_wait3A_181 = arith.constant 0 : i32
      %dma_wait3A_182 = tpu.memref_slice %arg9[%run_scoped3A_166, %dma_wait3A_180, %dma_wait3A_181] : memref<2x80x64xf32, #tpu.memory_space<vmem>> -> memref<1x80x64xf32, #tpu.memory_space<vmem>>
      %dma_wait3A_183 = tpu.memref_squeeze %dma_wait3A_182 : memref<1x80x64xf32, #tpu.memory_space<vmem>> -> memref<80x64xf32, #tpu.memory_space<vmem>>
      %dma_wait3A_184 = arith.constant 0 : i32
      %dma_wait3A_185 = tpu.memref_slice %arg8[%run_scoped3A_167, %dma_wait3A_184] : memref<250x80xi32, #tpu.memory_space<vmem>> -> memref<1x80xi32, #tpu.memory_space<vmem>>
      %dma_wait3A_186 = tpu.memref_squeeze %dma_wait3A_185 : memref<1x80xi32, #tpu.memory_space<vmem>> -> memref<80xi32, #tpu.memory_space<vmem>>
      %dma_wait3A_187 = arith.constant 0 : i32
      %dma_wait3A_188 = arith.constant 0 : i32
      %dma_wait3A_189 = tpu.memref_slice %arg12[%dma_wait3A_187, %dma_wait3A_188] : memref<10240x64xf32, #tpu.memory_space<vmem_shared>> -> memref<10240x64xf32, #tpu.memory_space<vmem_shared>>
      tpu.wait_indirect_dma semaphore(%run_scoped3A_169 : memref<!tpu.dma_semaphore, #tpu.memory_space<semaphore_mem>>) src(%dma_wait3A_183 : memref<80x64xf32, #tpu.memory_space<vmem>>) dst(%dma_wait3A_189 : memref<10240x64xf32, #tpu.memory_space<vmem_shared>>)
      tpu.yield
    }) : () -> ()
    %barrier3A_168 = arith.constant 0 : index
    tpu.barrier barrier_id(%barrier3A_168)
    "tpu.region"() ({
      %run_scoped3A_169 = tpu.sem_alloc : memref<!tpu.dma_semaphore, #tpu.memory_space<semaphore_mem>>
      %dma_start3A_170 = arith.constant 0 : i32
      %dma_start3A_171 = tpu.memref_slice %arg6[%arg0, %mul3A_72, %dma_start3A_170] : memref<2x10240x64xf32, #tpu.memory_space<hbm>> -> memref<1x640x64xf32, #tpu.memory_space<hbm>>
      %dma_start3A_172 = tpu.memref_squeeze %dma_start3A_171 : memref<1x640x64xf32, #tpu.memory_space<hbm>> -> memref<640x64xf32, #tpu.memory_space<hbm>>
      %dma_start3A_173 = arith.constant 0 : i32
      %dma_start3A_174 = tpu.memref_slice %arg12[%mul3A_72, %dma_start3A_173] : memref<10240x64xf32, #tpu.memory_space<vmem_shared>> -> memref<640x64xf32, #tpu.memory_space<vmem_shared>>
      tpu.enqueue_dma source(%dma_start3A_174 : memref<640x64xf32, #tpu.memory_space<vmem_shared>>) target(%dma_start3A_172 : memref<640x64xf32, #tpu.memory_space<hbm>>) target_semaphore(%run_scoped3A_169 : memref<!tpu.dma_semaphore, #tpu.memory_space<semaphore_mem>>)
      %dma_wait3A_175 = arith.constant 0 : i32
      %dma_wait3A_176 = tpu.memref_slice %arg6[%arg0, %mul3A_72, %dma_wait3A_175] : memref<2x10240x64xf32, #tpu.memory_space<hbm>> -> memref<1x640x64xf32, #tpu.memory_space<hbm>>
      %dma_wait3A_177 = tpu.memref_squeeze %dma_wait3A_176 : memref<1x640x64xf32, #tpu.memory_space<hbm>> -> memref<640x64xf32, #tpu.memory_space<hbm>>
      %dma_wait3A_178 = arith.constant 0 : i32
      %dma_wait3A_179 = tpu.memref_slice %arg12[%mul3A_72, %dma_wait3A_178] : memref<10240x64xf32, #tpu.memory_space<vmem_shared>> -> memref<640x64xf32, #tpu.memory_space<vmem_shared>>
      tpu.wait_dma2 semaphore(%run_scoped3A_169 : memref<!tpu.dma_semaphore, #tpu.memory_space<semaphore_mem>>) src(%dma_wait3A_179 : memref<640x64xf32, #tpu.memory_space<vmem_shared>>) dst(%dma_wait3A_177 : memref<640x64xf32, #tpu.memory_space<hbm>>)
      tpu.yield
    }) : () -> ()
    return
  }
}

module attributes {stable_mosaic.version = 14 : i64} {
  func.func @_node_lin_body(%arg0: i32, %arg1: i32, %arg2: memref<2000x128xf32, #tpu.memory_space<vmem>>, %arg3: memref<2000x1xf32, #tpu.memory_space<vmem>>, %arg4: memref<1x128x64xf32, #tpu.memory_space<vmem>>, %arg5: memref<2000x64xf32, #tpu.memory_space<vmem>>) attributes {dimension_semantics = [#tpu.dimension_semantics<arbitrary>, #tpu.dimension_semantics<arbitrary>], iteration_bounds = array<i64: 2, 5>, scalar_prefetch = 0 : i64, scratch_operands = 0 : i64, tpu.core_type = #tpu.core_type<tc>, window_params = [{transform_indices = @transform_0, window_bounds = array<i64: 2000, 128>}, {transform_indices = @transform_1, window_bounds = array<i64: 2000, 1>}, {transform_indices = @transform_2, window_bounds = array<i64: 1, 128, 64>}, {transform_indices = @transform_3, window_bounds = array<i64: 2000, 64>}]} {
    %get3A = arith.constant 0 : index
    %get3A_0 = arith.constant 0 : index
    %get3A_1 = vector.load %arg2[%get3A, %get3A_0] : memref<2000x128xf32, #tpu.memory_space<vmem>>, vector<2000x128xf32>
    %get3A_2 = arith.constant 0 : index
    %get3A_3 = arith.constant 0 : index
    %get3A_4 = arith.constant 0 : index
    %get3A_5 = vector.load %arg4[%get3A_2, %get3A_3, %get3A_4] : memref<1x128x64xf32, #tpu.memory_space<vmem>>, vector<1x128x64xf32>
    %get3A_6 = vector.shape_cast %get3A_5 : vector<1x128x64xf32> to vector<128x64xf32>
    %dot_general3A = arith.constant dense<0.000000e+00> : vector<2000x64xf32>
    %dot_general3A_7 = tpu.matmul %get3A_1, %get3A_6, %dot_general3A {dimension_numbers = #tpu.dot_dimension_numbers<[1], [0], [0], [1], [0, 0, 1, 1], [], []>, transpose_lhs_hint = false} : vector<2000x128xf32>, vector<128x64xf32>, vector<2000x64xf32> -> vector<2000x64xf32>
    %get3A_8 = arith.constant 0 : index
    %get3A_9 = arith.constant 0 : index
    %get3A_10 = vector.load %arg3[%get3A_8, %get3A_9] : memref<2000x1xf32, #tpu.memory_space<vmem>>, vector<2000x1xf32>
    %mul3A = vector.broadcast %get3A_10 : vector<2000x1xf32> to vector<2000x64xf32>
    %mul3A_11 = arith.mulf %dot_general3A_7, %mul3A : vector<2000x64xf32>
    %mul3A_12 = arith.constant 0.0883883461 : f32
    %mul3A_13 = vector.broadcast %mul3A_12 : f32 to vector<2000x64xf32>
    %mul3A_14 = arith.mulf %mul3A_11, %mul3A_13 : vector<2000x64xf32>
    %swap3A = arith.constant 0 : index
    %swap3A_15 = arith.constant 0 : index
    %swap3A_16 = vector.load %arg5[%swap3A, %swap3A_15] : memref<2000x64xf32, #tpu.memory_space<vmem>>, vector<2000x64xf32>
    tpu.vector_store %arg5[%swap3A, %swap3A_15], %mul3A_14 {strides = array<i32>} : memref<2000x64xf32, #tpu.memory_space<vmem>>, vector<2000x64xf32>,
    return
  }
  func.func @transform_0(%arg0: i32, %arg1: i32) -> (i32, i32) {
    %c0_i32 = arith.constant 0 : i32
    %c0_i32_0 = arith.constant 0 : i32
    return %arg1, %c0_i32 : i32, i32
  }
  func.func @transform_1(%arg0: i32, %arg1: i32) -> (i32, i32) {
    %c0_i32 = arith.constant 0 : i32
    %c0_i32_0 = arith.constant 0 : i32
    return %arg1, %c0_i32 : i32, i32
  }
  func.func @transform_2(%arg0: i32, %arg1: i32) -> (i32, i32, i32) {
    %c0_i32 = arith.constant 0 : i32
    %c0_i32_0 = arith.constant 0 : i32
    %c0_i32_1 = arith.constant 0 : i32
    return %arg0, %c0_i32, %c0_i32_0 : i32, i32, i32
  }
  func.func @transform_3(%arg0: i32, %arg1: i32) -> (i32, i32) {
    %mul3A = arith.constant 5 : i32
    %mul3A_0 = arith.muli %arg0, %mul3A : i32
    %add3A = arith.addi %mul3A_0, %arg1 : i32
    %c0_i32 = arith.constant 0 : i32
    %c0_i32_1 = arith.constant 0 : i32
    return %add3A, %c0_i32 : i32, i32
  }
}

module attributes {stable_mosaic.version = 14 : i64} {
  func.func @_edge_mlp_body(%arg0: i32, %arg1: i32, %arg2: memref<2000x16xf32, #tpu.memory_space<vmem>>, %arg3: memref<2000x1xf32, #tpu.memory_space<vmem>>, %arg4: memref<16x64xf32, #tpu.memory_space<vmem>>, %arg5: memref<2x64x64xf32, #tpu.memory_space<vmem>>, %arg6: memref<2x1x25x80x64xf32, #tpu.memory_space<vmem>>) attributes {dimension_semantics = [#tpu.dimension_semantics<arbitrary>, #tpu.dimension_semantics<arbitrary>], iteration_bounds = array<i64: 16, 10>, scalar_prefetch = 0 : i64, scratch_operands = 0 : i64, tpu.core_type = #tpu.core_type<tc>, window_params = [{transform_indices = @transform_0, window_bounds = array<i64: 2000, 16>}, {transform_indices = @transform_1, window_bounds = array<i64: 2000, 1>}, {pipeline_mode = #tpu.pipeline_mode<synchronous>, transform_indices = @transform_2, window_bounds = array<i64: 16, 64>}, {pipeline_mode = #tpu.pipeline_mode<synchronous>, transform_indices = @transform_3, window_bounds = array<i64: 2, 64, 64>}, {transform_indices = @transform_4, window_bounds = array<i64: 2, 1, 25, 80, 64>}]} {
    %get3A = arith.constant 0 : index
    %get3A_0 = arith.constant 0 : index
    %get3A_1 = vector.load %arg2[%get3A, %get3A_0] : memref<2000x16xf32, #tpu.memory_space<vmem>>, vector<2000x16xf32>
    %get3A_2 = arith.constant 0 : index
    %get3A_3 = arith.constant 0 : index
    %get3A_4 = vector.load %arg4[%get3A_2, %get3A_3] : memref<16x64xf32, #tpu.memory_space<vmem>>, vector<16x64xf32>
    %mul3A = arith.constant 2.500000e-01 : f32
    %mul3A_5 = vector.broadcast %mul3A : f32 to vector<16x64xf32>
    %mul3A_6 = arith.mulf %get3A_4, %mul3A_5 : vector<16x64xf32>
    %dot_general3A = arith.constant dense<0.000000e+00> : vector<2000x64xf32>
    %dot_general3A_7 = tpu.matmul %get3A_1, %mul3A_6, %dot_general3A {dimension_numbers = #tpu.dot_dimension_numbers<[1], [0], [0], [1], [0, 0, 1, 1], [], []>, transpose_lhs_hint = false} : vector<2000x16xf32>, vector<16x64xf32>, vector<2000x64xf32> -> vector<2000x64xf32>
    %logistic3A = arith.negf %dot_general3A_7 : vector<2000x64xf32>
    %logistic3A_8 = math.exp %logistic3A : vector<2000x64xf32>
    %logistic3A_9 = arith.constant 1.000000e+00 : f32
    %logistic3A_10 = vector.broadcast %logistic3A_9 : f32 to vector<2000x64xf32>
    %logistic3A_11 = arith.addf %logistic3A_10, %logistic3A_8 : vector<2000x64xf32>
    %logistic3A_12 = arith.divf %logistic3A_10, %logistic3A_11 : vector<2000x64xf32>
    %mul3A_13 = arith.mulf %dot_general3A_7, %logistic3A_12 : vector<2000x64xf32>
    %mul3A_14 = arith.constant 1.67532051 : f32
    %mul3A_15 = vector.broadcast %mul3A_14 : f32 to vector<2000x64xf32>
    %mul3A_16 = arith.mulf %mul3A_13, %mul3A_15 : vector<2000x64xf32>
    %get3A_17 = arith.constant 0 : index
    %get3A_18 = arith.constant 0 : index
    %get3A_19 = vector.load %arg3[%get3A_17, %get3A_18] : memref<2000x1xf32, #tpu.memory_space<vmem>>, vector<2000x1xf32>
    %mul3A_20 = arith.constant 0.176776692 : f32
    %mul3A_21 = vector.broadcast %mul3A_20 : f32 to vector<2000x1xf32>
    %mul3A_22 = arith.mulf %get3A_19, %mul3A_21 : vector<2000x1xf32>
    %get3A_23 = arith.constant 0 : index
    %get3A_24 = arith.constant 0 : index
    %get3A_25 = arith.constant 0 : index
    %get3A_26 = vector.load %arg5[%get3A_23, %get3A_24, %get3A_25] : memref<2x64x64xf32, #tpu.memory_space<vmem>>, vector<1x64x64xf32>
    %get3A_27 = vector.shape_cast %get3A_26 : vector<1x64x64xf32> to vector<64x64xf32>
    %mul3A_28 = arith.constant 1.250000e-01 : f32
    %mul3A_29 = vector.broadcast %mul3A_28 : f32 to vector<64x64xf32>
    %mul3A_30 = arith.mulf %get3A_27, %mul3A_29 : vector<64x64xf32>
    %dot_general3A_31 = arith.constant dense<0.000000e+00> : vector<2000x64xf32>
    %dot_general3A_32 = tpu.matmul %mul3A_16, %mul3A_30, %dot_general3A_31 {dimension_numbers = #tpu.dot_dimension_numbers<[1], [0], [0], [1], [0, 0, 1, 1], [], []>, transpose_lhs_hint = false} : vector<2000x64xf32>, vector<64x64xf32>, vector<2000x64xf32> -> vector<2000x64xf32>
    %mul3A_33 = vector.broadcast %mul3A_22 : vector<2000x1xf32> to vector<2000x64xf32>
    %mul3A_34 = arith.mulf %dot_general3A_32, %mul3A_33 : vector<2000x64xf32>
    %get3A_35 = arith.constant 1 : index
    %get3A_36 = arith.constant 0 : index
    %get3A_37 = arith.constant 0 : index
    %get3A_38 = vector.load %arg5[%get3A_35, %get3A_36, %get3A_37] : memref<2x64x64xf32, #tpu.memory_space<vmem>>, vector<1x64x64xf32>
    %get3A_39 = vector.shape_cast %get3A_38 : vector<1x64x64xf32> to vector<64x64xf32>
    %mul3A_40 = arith.constant 1.250000e-01 : f32
    %mul3A_41 = vector.broadcast %mul3A_40 : f32 to vector<64x64xf32>
    %mul3A_42 = arith.mulf %get3A_39, %mul3A_41 : vector<64x64xf32>
    %dot_general3A_43 = arith.constant dense<0.000000e+00> : vector<2000x64xf32>
    %dot_general3A_44 = tpu.matmul %mul3A_16, %mul3A_42, %dot_general3A_43 {dimension_numbers = #tpu.dot_dimension_numbers<[1], [0], [0], [1], [0, 0, 1, 1], [], []>, transpose_lhs_hint = false} : vector<2000x64xf32>, vector<64x64xf32>, vector<2000x64xf32> -> vector<2000x64xf32>
    %mul3A_45 = vector.broadcast %mul3A_22 : vector<2000x1xf32> to vector<2000x64xf32>
    %mul3A_46 = arith.mulf %dot_general3A_44, %mul3A_45 : vector<2000x64xf32>
    %reshape3A = vector.shape_cast %mul3A_34 : vector<2000x64xf32> to vector<25x80x64xf32>
    %swap3A = arith.constant 0 : index
    %swap3A_47 = arith.constant 0 : index
    %swap3A_48 = arith.constant 0 : index
    %swap3A_49 = arith.constant 0 : index
    %swap3A_50 = arith.constant 0 : index
    %swap3A_51 = vector.load %arg6[%swap3A, %swap3A_47, %swap3A_48, %swap3A_49, %swap3A_50] : memref<2x1x25x80x64xf32, #tpu.memory_space<vmem>>, vector<1x1x25x80x64xf32>
    %swap3A_52 = vector.shape_cast %swap3A_51 : vector<1x1x25x80x64xf32> to vector<25x80x64xf32>
    %swap3A_53 = vector.shape_cast %reshape3A : vector<25x80x64xf32> to vector<1x1x25x80x64xf32>
    tpu.vector_store %arg6[%swap3A, %swap3A_47, %swap3A_48, %swap3A_49, %swap3A_50], %swap3A_53 {strides = array<i32>} : memref<2x1x25x80x64xf32, #tpu.memory_space<vmem>>, vector<1x1x25x80x64xf32>,
    %reshape3A_54 = vector.shape_cast %mul3A_46 : vector<2000x64xf32> to vector<25x80x64xf32>
    %swap3A_55 = arith.constant 1 : index
    %swap3A_56 = arith.constant 0 : index
    %swap3A_57 = arith.constant 0 : index
    %swap3A_58 = arith.constant 0 : index
    %swap3A_59 = arith.constant 0 : index
    %swap3A_60 = vector.load %arg6[%swap3A_55, %swap3A_56, %swap3A_57, %swap3A_58, %swap3A_59] : memref<2x1x25x80x64xf32, #tpu.memory_space<vmem>>, vector<1x1x25x80x64xf32>
    %swap3A_61 = vector.shape_cast %swap3A_60 : vector<1x1x25x80x64xf32> to vector<25x80x64xf32>
    %swap3A_62 = vector.shape_cast %reshape3A_54 : vector<25x80x64xf32> to vector<1x1x25x80x64xf32>
    tpu.vector_store %arg6[%swap3A_55, %swap3A_56, %swap3A_57, %swap3A_58, %swap3A_59], %swap3A_62 {strides = array<i32>} : memref<2x1x25x80x64xf32, #tpu.memory_space<vmem>>, vector<1x1x25x80x64xf32>,
    return
  }
  func.func @transform_0(%arg0: i32, %arg1: i32) -> (i32, i32) {
    %mul3A = arith.constant 10 : i32
    %mul3A_0 = arith.muli %arg0, %mul3A : i32
    %add3A = arith.addi %mul3A_0, %arg1 : i32
    %c0_i32 = arith.constant 0 : i32
    %c0_i32_1 = arith.constant 0 : i32
    return %add3A, %c0_i32 : i32, i32
  }
  func.func @transform_1(%arg0: i32, %arg1: i32) -> (i32, i32) {
    %mul3A = arith.constant 10 : i32
    %mul3A_0 = arith.muli %arg0, %mul3A : i32
    %add3A = arith.addi %mul3A_0, %arg1 : i32
    %c0_i32 = arith.constant 0 : i32
    %c0_i32_1 = arith.constant 0 : i32
    return %add3A, %c0_i32 : i32, i32
  }
  func.func @transform_2(%arg0: i32, %arg1: i32) -> (i32, i32) {
    %c0_i32 = arith.constant 0 : i32
    %c0_i32_0 = arith.constant 0 : i32
    %c0_i32_1 = arith.constant 0 : i32
    return %c0_i32, %c0_i32_0 : i32, i32
  }
  func.func @transform_3(%arg0: i32, %arg1: i32) -> (i32, i32, i32) {
    %c0_i32 = arith.constant 0 : i32
    %c0_i32_0 = arith.constant 0 : i32
    %c0_i32_1 = arith.constant 0 : i32
    %c0_i32_2 = arith.constant 0 : i32
    return %c0_i32, %c0_i32_0, %c0_i32_1 : i32, i32, i32
  }
  func.func @transform_4(%arg0: i32, %arg1: i32) -> (i32, i32, i32, i32, i32) {
    %c0_i32 = arith.constant 0 : i32
    %c0_i32_0 = arith.constant 0 : i32
    %c0_i32_1 = arith.constant 0 : i32
    %c0_i32_2 = arith.constant 0 : i32
    return %c0_i32, %arg0, %arg1, %c0_i32_0, %c0_i32_1 : i32, i32, i32, i32, i32
  }
}

module attributes {stable_mosaic.version = 14 : i64} {
  func.func @_final_body(%arg0: i32, %arg1: memref<2000x128xf32, #tpu.memory_space<vmem>>, %arg2: memref<2000x1xf32, #tpu.memory_space<vmem>>, %arg3: memref<2x2000x64xf32, #tpu.memory_space<vmem>>, %arg4: memref<128x128xf32, #tpu.memory_space<vmem>>, %arg5: memref<128x128xf32, #tpu.memory_space<vmem>>, %arg6: memref<128x1xf32, #tpu.memory_space<vmem>>, %arg7: memref<2000x128xf32, #tpu.memory_space<vmem>>) attributes {dimension_semantics = [#tpu.dimension_semantics<arbitrary>], iteration_bounds = array<i64: 5>, scalar_prefetch = 0 : i64, scratch_operands = 0 : i64, tpu.core_type = #tpu.core_type<tc>, window_params = [{transform_indices = @transform_0, window_bounds = array<i64: 2000, 128>}, {transform_indices = @transform_1, window_bounds = array<i64: 2000, 1>}, {transform_indices = @transform_2, window_bounds = array<i64: 2, 2000, 64>}, {pipeline_mode = #tpu.pipeline_mode<synchronous>, transform_indices = @transform_3, window_bounds = array<i64: 128, 128>}, {pipeline_mode = #tpu.pipeline_mode<synchronous>, transform_indices = @transform_4, window_bounds = array<i64: 128, 128>}, {pipeline_mode = #tpu.pipeline_mode<synchronous>, transform_indices = @transform_5, window_bounds = array<i64: 128, 1>}, {transform_indices = @transform_6, window_bounds = array<i64: 2000, 128>}]} {
    %get3A = arith.constant 0 : index
    %get3A_0 = arith.constant 0 : index
    %get3A_1 = vector.load %arg2[%get3A, %get3A_0] : memref<2000x1xf32, #tpu.memory_space<vmem>>, vector<2000x1xf32>
    %get3A_2 = arith.constant 0 : index
    %get3A_3 = arith.constant 0 : index
    %get3A_4 = arith.constant 0 : index
    %get3A_5 = vector.load %arg3[%get3A_2, %get3A_3, %get3A_4] : memref<2x2000x64xf32, #tpu.memory_space<vmem>>, vector<1x2000x64xf32>
    %get3A_6 = vector.shape_cast %get3A_5 : vector<1x2000x64xf32> to vector<2000x64xf32>
    %get3A_7 = arith.constant 1 : index
    %get3A_8 = arith.constant 0 : index
    %get3A_9 = arith.constant 0 : index
    %get3A_10 = vector.load %arg3[%get3A_7, %get3A_8, %get3A_9] : memref<2x2000x64xf32, #tpu.memory_space<vmem>>, vector<1x2000x64xf32>
    %get3A_11 = vector.shape_cast %get3A_10 : vector<1x2000x64xf32> to vector<2000x64xf32>
    %get3A_12 = arith.constant 0 : index
    %get3A_13 = arith.constant 0 : index
    %get3A_14 = vector.load %arg1[%get3A_12, %get3A_13] : memref<2000x128xf32, #tpu.memory_space<vmem>>, vector<2000x128xf32>
    %get3A_15 = arith.constant 0 : index
    %get3A_16 = arith.constant 0 : index
    %get3A_17 = vector.load %arg4[%get3A_15, %get3A_16] : memref<128x128xf32, #tpu.memory_space<vmem>>, vector<128x128xf32>
    %dot_general3A = arith.constant dense<0.000000e+00> : vector<2000x128xf32>
    %dot_general3A_18 = tpu.matmul %get3A_14, %get3A_17, %dot_general3A {dimension_numbers = #tpu.dot_dimension_numbers<[1], [0], [0], [1], [0, 0, 1, 1], [], []>, transpose_lhs_hint = false} : vector<2000x128xf32>, vector<128x128xf32>, vector<2000x128xf32> -> vector<2000x128xf32>
    %mul3A = vector.broadcast %get3A_1 : vector<2000x1xf32> to vector<2000x128xf32>
    %mul3A_19 = arith.mulf %dot_general3A_18, %mul3A : vector<2000x128xf32>
    %mul3A_20 = arith.constant 0.0883883461 : f32
    %mul3A_21 = vector.broadcast %mul3A_20 : f32 to vector<2000x128xf32>
    %mul3A_22 = arith.mulf %mul3A_19, %mul3A_21 : vector<2000x128xf32>
    %get3A_23 = arith.constant 0 : index
    %get3A_24 = arith.constant 0 : index
    %get3A_25 = vector.load %arg5[%get3A_23, %get3A_24] : memref<128x128xf32, #tpu.memory_space<vmem>>, vector<128x128xf32>
    %slice3A = vector.extract_strided_slice %get3A_25 {offsets = [0, 0], sizes = [64, 128], strides = [1, 1]} : vector<128x128xf32> to vector<64x128xf32>
    %dot_general3A_26 = arith.constant dense<0.000000e+00> : vector<2000x128xf32>
    %dot_general3A_27 = tpu.matmul %get3A_6, %slice3A, %dot_general3A_26 {dimension_numbers = #tpu.dot_dimension_numbers<[1], [0], [0], [1], [0, 0, 1, 1], [], []>, transpose_lhs_hint = false} : vector<2000x64xf32>, vector<64x128xf32>, vector<2000x128xf32> -> vector<2000x128xf32>
    %slice3A_28 = vector.extract_strided_slice %get3A_25 {offsets = [64, 0], sizes = [64, 128], strides = [1, 1]} : vector<128x128xf32> to vector<64x128xf32>
    %dot_general3A_29 = arith.constant dense<0.000000e+00> : vector<2000x128xf32>
    %dot_general3A_30 = tpu.matmul %get3A_11, %slice3A_28, %dot_general3A_29 {dimension_numbers = #tpu.dot_dimension_numbers<[1], [0], [0], [1], [0, 0, 1, 1], [], []>, transpose_lhs_hint = false} : vector<2000x64xf32>, vector<64x128xf32>, vector<2000x128xf32> -> vector<2000x128xf32>
    %add3A = arith.addf %dot_general3A_27, %dot_general3A_30 : vector<2000x128xf32>
    %mul3A_31 = vector.broadcast %get3A_1 : vector<2000x1xf32> to vector<2000x128xf32>
    %mul3A_32 = arith.mulf %add3A, %mul3A_31 : vector<2000x128xf32>
    %mul3A_33 = arith.constant 0.0883883461 : f32
    %mul3A_34 = vector.broadcast %mul3A_33 : f32 to vector<2000x128xf32>
    %mul3A_35 = arith.mulf %mul3A_32, %mul3A_34 : vector<2000x128xf32>
    %get3A_36 = arith.constant 0 : index
    %get3A_37 = arith.constant 0 : index
    %get3A_38 = vector.load %arg6[%get3A_36, %get3A_37] : memref<128x1xf32, #tpu.memory_space<vmem>>, vector<128x1xf32>
    %slice3A_39 = vector.extract_strided_slice %get3A_38 {offsets = [0, 0], sizes = [64, 1], strides = [1, 1]} : vector<128x1xf32> to vector<64x1xf32>
    %dot_general3A_40 = arith.constant dense<0.000000e+00> : vector<2000x1xf32>
    %dot_general3A_41 = tpu.matmul %get3A_6, %slice3A_39, %dot_general3A_40 {dimension_numbers = #tpu.dot_dimension_numbers<[1], [0], [0], [1], [0, 0, 1, 1], [], []>, transpose_lhs_hint = false} : vector<2000x64xf32>, vector<64x1xf32>, vector<2000x1xf32> -> vector<2000x1xf32>
    %slice3A_42 = vector.extract_strided_slice %get3A_38 {offsets = [64, 0], sizes = [64, 1], strides = [1, 1]} : vector<128x1xf32> to vector<64x1xf32>
    %dot_general3A_43 = arith.constant dense<0.000000e+00> : vector<2000x1xf32>
    %dot_general3A_44 = tpu.matmul %get3A_11, %slice3A_42, %dot_general3A_43 {dimension_numbers = #tpu.dot_dimension_numbers<[1], [0], [0], [1], [0, 0, 1, 1], [], []>, transpose_lhs_hint = false} : vector<2000x64xf32>, vector<64x1xf32>, vector<2000x1xf32> -> vector<2000x1xf32>
    %add3A_45 = arith.addf %dot_general3A_41, %dot_general3A_44 : vector<2000x1xf32>
    %mul3A_46 = arith.mulf %add3A_45, %get3A_1 : vector<2000x1xf32>
    %mul3A_47 = arith.constant 0.0883883461 : f32
    %mul3A_48 = vector.broadcast %mul3A_47 : f32 to vector<2000x1xf32>
    %mul3A_49 = arith.mulf %mul3A_46, %mul3A_48 : vector<2000x1xf32>
    %mul3A_50 = vector.broadcast %mul3A_49 : vector<2000x1xf32> to vector<2000x128xf32>
    %mul3A_51 = arith.mulf %mul3A_50, %mul3A_35 : vector<2000x128xf32>
    %add3A_52 = arith.addf %mul3A_22, %mul3A_51 : vector<2000x128xf32>
    %logistic3A = arith.negf %add3A_52 : vector<2000x128xf32>
    %logistic3A_53 = math.exp %logistic3A : vector<2000x128xf32>
    %logistic3A_54 = arith.constant 1.000000e+00 : f32
    %logistic3A_55 = vector.broadcast %logistic3A_54 : f32 to vector<2000x128xf32>
    %logistic3A_56 = arith.addf %logistic3A_55, %logistic3A_53 : vector<2000x128xf32>
    %logistic3A_57 = arith.divf %logistic3A_55, %logistic3A_56 : vector<2000x128xf32>
    %mul3A_58 = arith.mulf %add3A_52, %logistic3A_57 : vector<2000x128xf32>
    %mul3A_59 = arith.constant 1.67532051 : f32
    %mul3A_60 = vector.broadcast %mul3A_59 : f32 to vector<2000x128xf32>
    %mul3A_61 = arith.mulf %mul3A_58, %mul3A_60 : vector<2000x128xf32>
    %swap3A = arith.constant 0 : index
    %swap3A_62 = arith.constant 0 : index
    %swap3A_63 = vector.load %arg7[%swap3A, %swap3A_62] : memref<2000x128xf32, #tpu.memory_space<vmem>>, vector<2000x128xf32>
    tpu.vector_store %arg7[%swap3A, %swap3A_62], %mul3A_61 {strides = array<i32>} : memref<2000x128xf32, #tpu.memory_space<vmem>>, vector<2000x128xf32>,
    return
  }
  func.func @transform_0(%arg0: i32) -> (i32, i32) {
    %c0_i32 = arith.constant 0 : i32
    %c0_i32_0 = arith.constant 0 : i32
    return %arg0, %c0_i32 : i32, i32
  }
  func.func @transform_1(%arg0: i32) -> (i32, i32) {
    %c0_i32 = arith.constant 0 : i32
    %c0_i32_0 = arith.constant 0 : i32
    return %arg0, %c0_i32 : i32, i32
  }
  func.func @transform_2(%arg0: i32) -> (i32, i32, i32) {
    %c0_i32 = arith.constant 0 : i32
    %c0_i32_0 = arith.constant 0 : i32
    %c0_i32_1 = arith.constant 0 : i32
    return %c0_i32, %arg0, %c0_i32_0 : i32, i32, i32
  }
  func.func @transform_3(%arg0: i32) -> (i32, i32) {
    %c0_i32 = arith.constant 0 : i32
    %c0_i32_0 = arith.constant 0 : i32
    %c0_i32_1 = arith.constant 0 : i32
    return %c0_i32, %c0_i32_0 : i32, i32
  }
  func.func @transform_4(%arg0: i32) -> (i32, i32) {
    %c0_i32 = arith.constant 0 : i32
    %c0_i32_0 = arith.constant 0 : i32
    %c0_i32_1 = arith.constant 0 : i32
    return %c0_i32, %c0_i32_0 : i32, i32
  }
  func.func @transform_5(%arg0: i32) -> (i32, i32) {
    %c0_i32 = arith.constant 0 : i32
    %c0_i32_0 = arith.constant 0 : i32
    %c0_i32_1 = arith.constant 0 : i32
    return %c0_i32, %c0_i32_0 : i32, i32
  }
  func.func @transform_6(%arg0: i32) -> (i32, i32) {
    %c0_i32 = arith.constant 0 : i32
    %c0_i32_0 = arith.constant 0 : i32
    return %arg0, %c0_i32 : i32, i32
  }
}

</mosaic_0001>

<sc_bundles>
// kernel: kernel.6.cloned.1.call-start
scs
__scs_entry_jumppad:
0x0: {  	(pc) =	sbr.rel $0x88, $3  }
0x1: {  	(tag) =	ssettag $0x0;
	lr =	simm.s32 $0x1  }
0x2: {  	[smem:$0x3F95] =	sst lr;
	_ =	strace $0xD0000000  }
0x3: {  	_ = 	snop  }
0x4: {  	_ = 	snop  }
0x5: {  	_ = 	snop  }
0x6: {  	_ = 	snop  }
0x7: {  	_ = 	snop  }
__scs_overlays_trampoline_lowered:
0x8: {  	[smem:$0x3FA4] =	sst s0  }
0x9: {  	[smem:$0x3FA5] =	sst s1  }
0xa: {  	[smem:$0x3FA6] =	sst s2  }
0xb: {  	[smem:$0x3FA7] =	sst s3  }
0xc: {  	[smem:$0x3FA8] =	sst s4  }
0xd: {  	[smem:$0x3FA9] =	sst s5  }
0xe: {  	[smem:$0x3FAA] =	sst s6  }
0xf: {  	[smem:$0x3FAB] =	sst s7  }
0x10: {  	[smem:$0x3FAC] =	sst s8  }
0x11: {  	[smem:$0x3FAD] =	sst s9;
	s0 =	simm.s32 @!p0 $0x0  }
0x12: {  	s1 =	sld [smem:$0x3F93];
	s0 =	simm.s32 @p0 $0x1  }
0x13: {  	[smem:$0x3FAE] =	sst s0;
	s0 =	simm.s32 @!p1 $0x0  }
0x14: {  	s2 =	sld [smem:$0x3F92];
	s0 =	simm.s32 @p1 $0x1  }
0x15: {  	[smem:$0x3FAF] =	sst s0;
	s0 =	simm.s32 @!p2 $0x0  }
0x16: {  	s3 =	sld [smem:$0x3FDB];
	s0 =	simm.s32 @p2 $0x1  }
0x17: {  	s4 =	simm.s32 $0x1BF5;
	[smem:$0x3FB1] =	sst s0  }
0x18: {  	s0 =	sld [smem:$0x3F94];
	_ =	swait.ge [sflag:s4], $0x0  }
0x19: {  	s7 =	sld [smem:$0x3F95]  }
0x1a: {  	s8 =	sadd.s32 $0xFFFFE003, lr  }
0x1b: {  	s9 =	sadd.s32 $0xFFFFFEF7, lr;
	s5 =	simm.s32 $0xFFFFFFFF;
	p2 =	slt.u32 s8, $0xFFFFF086  }
0x1c: {  	p1 =	slt.u32 s9, $0xF7A;
	s5 =	simm.s32 @!p2 $0x0  }
0x1d: {  	s5 =	simm.s32 @p1 $0x1;
	p0 =	seq.s32 s7, s2  }
0x1e: {  	s7 =	smul.u32 @!p0 $0xF7A, s2;
	p2 =	seq.s32 @!p0 s5, $0x0  }
0x1f: {  	s9 =	smul.u32 $0xF7A, s1;
	s8 =	simm.s32 @!p0 $0x1BF5;
	p2 =	por !p2, p0  }
0x20: {  	[sflag:s8] =	ssyncset.s32 @!p0 $0xFFFFF086;
	s6 =	sadd.s32 @!p0 s3, s7;
	s7 =	simm.s32 @!p0 $0x108  }
0x21: {  	s3 =	sadd.s32 s3, s9;
	s6 =	sadd.s32 @!p0 $0x88, s6;
	s7 =	simm.s32 @p2 $0x1082  }
0x22: {  	[simem:s7], [sflag:s8] =	dma.local @!p0 [hbm:s6], $0xF7A  }
0x23: {  	s9 =	sor.u32 $0xD0000000, s2;
	s6 =	simm.s32 $0x108;
	_ =	swait.ge @!p0 [sflag:s8], $0x0  }
0x24: {  	s3 =	sadd.s32 $0x88, s3;
	s6 =	simm.s32 @!p1 $0x1082;
	[sflag:s4] =	ssyncset.s32 $0xFFFFF086  }
0x25: {  	[simem:s6], [sflag:s4] =	dma.local [hbm:s3], $0xF7A  }
0x26: {  	[smem:$0x3F95] =	sst s1;
	(tag) =	ssettag s2;
	_ =	strace s9  }
0x27: {  	s1 =	sld [smem:$0x3FA5]  }
0x28: {  	s2 =	sld [smem:$0x3FA6]  }
0x29: {  	s4 =	sld [smem:$0x3FA8]  }
0x2a: {  	p0 =	seq.s32 s5, $0x0;
	s5 =	sld [smem:$0x3FA9]  }
0x2b: {  	s6 =	sld [smem:$0x3FAA]  }
0x2c: {  	s7 =	sld [smem:$0x3FAB]  }
0x2d: {  	s3 =	simm.s32 $0x108;
	s8 =	sld [smem:$0x3FAC]  }
0x2e: {  	s3 =	simm.s32 @!p0 $0x1082;
	s9 =	sld [smem:$0x3FAD]  }
0x2f: {  	lr =	sadd.s32 s0, s3;
	s0 =	sld [smem:$0x3FA4]  }
0x30: {  	s3 =	sld [smem:$0x3FA7]  }
0x31: {  	[smem:$0x3FB0] =	sst s10  }
0x32: {  	s10 =	sld [smem:$0x3FAE];
	_ =	sdelay $0x3  }
0x33: {  	p0 =	seq.s32 s10, $0x1;
	s10 =	sld [smem:$0x3FB0];
	_ =	sdelay $0x3  }
0x34: {  	[smem:$0x3FB0] =	sst s10  }
0x35: {  	s10 =	sld [smem:$0x3FAF];
	_ =	sdelay $0x3  }
0x36: {  	p1 =	seq.s32 s10, $0x1;
	s10 =	sld [smem:$0x3FB0];
	_ =	sdelay $0x3  }
0x37: {  	[smem:$0x3FB0] =	sst s10  }
0x38: {  	s10 =	sld [smem:$0x3FB1]  }
0x39: {  	_ = 	snop;
	(pc) =	sbr.ind lr, $3  }
0x3a: {  	_ = 	snop  }
0x3b: {  	_ = 	snop  }
0x3c: {  	p2 =	seq.s32 s10, $0x1;
	s10 =	sld [smem:$0x3FB0]  }
0x3d: {  	_ =	shalt  }
0x3e: {  	_ =	shalt  }
0x3f: {  	_ =	shalt  }
0x40: {  	_ =	shalt  }
0x41: {  	_ =	shalt  }
0x42: {  	_ =	shalt  }
0x43: {  	_ =	shalt  }
0x44: {  	_ =	shalt  }
0x45: {  	_ =	shalt  }
0x46: {  	_ =	shalt  }
0x47: {  	_ =	shalt  }
0x48: {  	_ =	shalt  }
0x49: {  	_ =	shalt  }
0x4a: {  	_ =	shalt  }
0x4b: {  	_ =	shalt  }
0x4c: {  	_ =	shalt  }
0x4d: {  	_ =	shalt  }
0x4e: {  	_ =	shalt  }
0x4f: {  	_ =	shalt  }
0x50: {  	_ =	shalt  }
0x51: {  	_ =	shalt  }
0x52: {  	_ =	shalt  }
0x53: {  	_ =	shalt  }
0x54: {  	_ =	shalt  }
0x55: {  	_ =	shalt  }
0x56: {  	_ =	shalt  }
0x57: {  	_ =	shalt  }
0x58: {  	_ =	shalt  }
0x59: {  	_ =	shalt  }
0x5a: {  	_ =	shalt  }
0x5b: {  	_ =	shalt  }
0x5c: {  	_ =	shalt  }
0x5d: {  	_ =	shalt  }
0x5e: {  	_ =	shalt  }
0x5f: {  	_ =	shalt  }
0x60: {  	_ =	shalt  }
0x61: {  	_ =	shalt  }
0x62: {  	_ =	shalt  }
0x63: {  	_ =	shalt  }
0x64: {  	_ =	shalt  }
0x65: {  	_ =	shalt  }
0x66: {  	_ =	shalt  }
0x67: {  	_ =	shalt  }
0x68: {  	_ =	shalt  }
0x69: {  	_ =	shalt  }
0x6a: {  	_ =	shalt  }
0x6b: {  	_ =	shalt  }
0x6c: {  	_ =	shalt  }
0x6d: {  	_ =	shalt  }
0x6e: {  	_ =	shalt  }
0x6f: {  	_ =	shalt  }
0x70: {  	_ =	shalt  }
0x71: {  	_ =	shalt  }
0x72: {  	_ =	shalt  }
0x73: {  	_ =	shalt  }
0x74: {  	_ =	shalt  }
0x75: {  	_ =	shalt  }
0x76: {  	_ =	shalt  }
0x77: {  	_ =	shalt  }
0x78: {  	_ =	shalt  }
0x79: {  	_ =	shalt  }
0x7a: {  	_ =	shalt  }
0x7b: {  	_ =	shalt  }
0x7c: {  	_ =	shalt  }
0x7d: {  	_ =	shalt  }
0x7e: {  	_ =	shalt  }
0x7f: {  	_ =	shalt  }
0x80: {  	_ =	shalt  }
0x81: {  	_ =	shalt  }
0x82: {  	_ =	shalt  }
0x83: {  	_ =	shalt  }
0x84: {  	_ =	shalt  }
0x85: {  	_ =	shalt  }
0x86: {  	_ =	shalt  }
0x87: {  	_ =	shalt  }
.Lfunc_end0:
.L_simem_size_0:
called_computation_lowered:
.L_overlay_start_0:
0x88: {  	s2 =	sld [smem:$0x3FD9]  }
0x89: {  	s3 =	sld [smem:$0x3FFE];
	_ =	sdelay $0x1  }
0x8a: {  	s1 =	srdreg.scid  }
0x8b: {  	s0 =	sand.u32 $0x1, s1  }
0x8c: {  	s17 =	sshll.u32 s0, $0xA;
	s2 =	sadd.s32 s3, s2  }
0x8d: {  	s2 =	sadd.s32 s2, s17  }
0x8e: {  	[smem:$0x3FBC] =	sst s2  }
0x8f: {  	_ = 	snop  }
0x90: {  	s2 =	sld [smem:$0x3FC7]  }
0x91: {  	s18 =	sld [smem:$0x3FC6];
	(tm) =	ssettm $0x1  }
0x92: {  	s4 =	sld [smem:$0x3FFB];
	_ =	sdelay $0x3  }
0x93: {  	_ =	strace s4  }
0x94: {  	s4 =	sld [smem:$0x3FFC];
	_ =	sdelay $0x3  }
0x95: {  	_ =	strace s4  }
0x96: {  	s4 =	sld [smem:$0x3FFD];
	_ =	sdelay $0x3  }
0x97: {  	_ =	strace s4  }
0x98: {  	_ =	strace $0x8FFFFFFF  }
0x99: {  	s19 =	sld [smem:$0x3FDB];
	_ =	sdelay $0x1  }
0x9a: {  	s5 =	simm.s32 $_scs_section_size  }
0x9b: {  	s6 =	simm.s32 $_size__tile_overlayer_lowered;
	s7 =	simm.s32 $_tile_overlayer_lowered  }
0x9c: {  	s22 =	simm.s32 $0x1BFF;
	s21 =	sshll.u32 s7, $0x1;
	s4 =	sadd.s32 s5, s19  }
0x9d: {  	s8 =	simm.s32 $0x0;
	s20 =	sshll.u32 s6, $0x1;
	s6 =	sadd.s32 s21, s4  }
0x9e: {  	[timem:s8], [sflag:s22] =	dma.local [hbm:s6], s20  }
0x9f: {  	_ =	swait.ge [sflag:s22], s20  }
0xa0: {  	s5 =	ssub.s32 $0x0, s20;
	[sflag:s22] =	ssyncset.done $0x0  }
0xa1: {  	[sflag:s22] =	ssyncadd.s32 s5;
	_ =	sdelay $0x1  }
0xa2: {  	s23 =	simm.s32 $0x1B8B  }
0xa3: {  	_ =	swait.ge [sflag:s23], $0x1  }
0xa4: {  	[sflag:s23] =	ssyncset.done $0x0  }
0xa5: {  	s25 =	simm.s32 $0x1B8E;
	s24 =	sld [smem:$0x3FFE];
	[sflag:s23] =	ssyncadd.s32 $0xFFFFFFFF  }
0xa6: {  	s26 =	simm.s32 $execute0_lowered;
	[smem:$0x3FD2] =	sst s25  }
0xa7: {  	s6 =	sshll.u32 s26, $0x1;
	_ =	strace $0x80000046;
	[dreg:$0x1] =	wrdreg $0xFFFFFFFF  }
0xa8: {  	s28 =	simm.s32 $_size_execute0_lowered;
	s4 =	sadd.s32 s4, s6;
	[dreg:$0x0] =	wrdreg $0x0  }
0xa9: {  	s6 =	sshll.u32 s28, $0x1;
	[dreg:$0x2] =	wrdreg s4  }
0xaa: {  	[dreg:$0x3] =	wrdreg s6  }
0xab: {  	[dreg:$0x4] =	wrdreg $0xC0  }
0xac: {  	_ =	task [dreg:s8], $0x5FFFF  }
0xad: {  	[dreg:$0x1] =	wrdreg $0xFFFFFFFF  }
0xae: {  	[dreg:$0x0] =	wrdreg $0x60  }
0xaf: {  	[dreg:$0x2] =	wrdreg s24  }
0xb0: {  	[dreg:$0x3] =	wrdreg s2  }
0xb1: {  	[dreg:$0x4] =	wrdreg s18  }
0xb2: {  	[dreg:$0x5] =	wrdreg $0x100400  }
0xb3: {  	[dreg:$0x6] =	wrdreg $0x9  }
0xb4: {  	_ =	task.clear_ibuf [dreg:s8], $0x7FFFF;
	_ =	strace $0x90000046  }
0xb5: {  	s29 =	simm.s32 $0x9;
	_ =	strace $0x80000048  }
0xb6: {  	_ =	swait.ge [sflag:s29], $0x1  }
0xb7: {  	[sflag:s29] =	ssyncadd.s32 $0xFFFFFFFF  }
0xb8: {  	_ =	strace $0x90000048  }
0xb9: {  	_ =	sfence  }
0xba: {  	s30 =	sld [smem:$0x0];
	_ =	sdelay $0x2  }
0xbb: {  	s31 =	sshll.u32 s1, $0xD;
	s1 =	sshrl.u32 s1, $0x2  }
0xbc: {  	s3 =	sand.u32 $0x4000, s31;
	s1 =	sadd.s32 s1, s30  }
0xbd: {  	s0 =	sor.u32 s3, s0;
	s1 =	sshll.u32 s1, $0x11  }
0xbe: {  	s0 =	sor.u32 s1, s0  }
0xbf: {  	s0 =	sadd.s32 $0x8F2B, s0  }
0xc0: {  	[sflag:s0] =	ssyncadd.remote.s32 $0x1  }
0xc1: {  	_ =	sfence.sel $0xFFFF  }
0xc2: {  	[dreg:$0x0] =	wrdreg $0xFFFFFFFF;
	(pc) =	sbr.abs _section_cstart, $3  }
0xc3: {  	[dreg:$0x1] =	wrdreg $0xFFFFFFFF  }
0xc4: {  	_ =	task.clear_ibuf [dreg:s8], $0x2FFFF;
	_ =	strace $0x9FFFFFFF  }
0xc5: {  	(tm) =	ssettm $0x7FFFFFFF  }
tec
execute0_lowered:
.L_overlay_start_1:
0x0: {  	(tag) =	ssettag $0x1  }
0x1: {  	s0 =	rddreg [dreg:$0x0]  }
0x2: {  	s1 =	rddreg [dreg:$0x1]  }
0x3: {  	s7 =	rddreg [dreg:$0x2]  }
0x4: {  	s2 =	rddreg [dreg:$0x3];
	s14 =	stileid.u32  }
0x5: {  	s4 =	srdreg.scid;
	s10 =	smul.u32 $0xA000, s14  }
0x6: {  	s3 =	simm.s32 $0x0;
	s21 =	simm.s32 $0x5;
	s12 =	smul.u32 $0x138800, s14  }
0x7: {  	s28 =	simm.s32 $0xD840;
	s29 =	simm.s32 $0xEC40;
	s13 =	smul.u32 $0x9C4, s14  }
0x8: {  	s30 =	simm.s32 $0x1;
	s8 =	sand.u32 $0x1, s4;
	s26 =	smul.u32 $0x28000, s14  }
0x9: {  	s31 =	simm.s32 $0x3;
	[smem:$0x7FF] =	sst s3;
	s6 =	smul.u32 $0xA0000, s8  }
0xa: {  	s4 =	sadd.s32 $0x1C00, s0;
	s5 =	sadd.s32 $0x28E00, s0;
	s9 =	smul.u32 $0x1388000, s8  }
0xb: {  	_ =	strace $0x80000047;
	s11 =	ssub.s32 $0x2, s8;
	s14 =	smul.u32 $0x2710, s8  }
0xc: {  	s25 =	sshrl.u32 s11, $0x1;
	s1 =	sadd.s32 s1, s13;
	s22 =	sshrl.u32 s26, $0x2  }
0xd: {  	s6 =	sadd.s32 s10, s6;
	s20 =	ssub.s32 s11, s25;
	[dreg:$0x5] =	wrdreg s1  }
0xe: {  	s11 =	sadd.s32 s10, s2;
	s1 =	sadd.s32 s22, s2;
	s22 =	simm.s32 $0x4  }
0xf: {  	s6 =	sshrl.u32 s6, $0x3;
	s24 =	sadd.s32 $0x1400, s1;
	s25 =	sadd.s32 $0x2800, s1  }
0x10: {  	s26 =	sadd.s32 $0x3C00, s1;
	s15 =	sadd.s32 $0x5000, s1;
	s16 =	sadd.s32 $0x6400, s1  }
0x11: {  	s17 =	sadd.s32 $0x7800, s1;
	s18 =	sadd.s32 $0x8C00, s1;
	s20 =	smax.u32 s20, $0x1  }
0x12: {  	s1 =	simm.s32 $0x0;
	s0 =	sadd.s32 s6, s0;
	[dreg:$0x8] =	wrdreg s24  }
0x13: {  	s6 =	sadd.s32 s12, s9;
	s12 =	sadd.s32 s7, s13;
	[dreg:$0x9] =	wrdreg s25  }
0x14: {  	[dreg:$0xa] =	wrdreg s26;
	s24 =	simm.s32 $0x9C40;
	s13 =	sshrl.u32 s6, $0x3  }
0x15: {  	s25 =	simm.s32 $0xC440;
	s26 =	simm.s32 $0xB040;
	s9 =	sadd.s32 s5, s13  }
0x16: {  	[dreg:$0x6] =	wrdreg s12;
	s19 =	sadd.s32 $0x50AE00, s0;
	s23 =	sadd.s32 $0x280, s9  }
0x17: {  	v1 =	vimm.f32 $0.0e+00;
	v0 =	vmov s14;
	s0 =	simm.s32 $0x2;
	[dreg:$0x7] =	wrdreg s23;
	s23 =	simm.s32 $0x50  }
.LBB2_1:
0x18: {  	s7 =	rddreg [dreg:$0x5]  }
0x19: {  	[tilespmem:s3], [sflag:$0x5] =	stream.linear.gather [hbm4b:s7+s3], $0x4E20, $0x38;
	[tilespmem:$0x1A040] =	vst v63  }
0x1a: {  	_ =	swait.ge [sflag:s21], $0x4E20  }
0x1b: {  	[sflag:s21] =	ssyncset.done $0x0  }
0x1c: {  	s8 =	simm.s32 $0x4E20;
	s14 =	rddreg [dreg:$0x6];
	[sflag:s21] =	ssyncadd.s32 $0xFFFFB1E0  }
0x1d: {  	[tilespmem:s8], [sflag:$0x5] =	stream.linear.gather [hbm4b:s14+s3], $0x4E20, $0x38;
	[tilespmem:$0x1A040] =	vst v63  }
0x1e: {  	_ =	swait.ge [sflag:s21], $0x4E20  }
0x1f: {  	[sflag:s21] =	ssyncset.done $0x0  }
0x20: {  	s7 =	simm.s32 $0x0;
	[sflag:s21] =	ssyncadd.s32 $0xFFFFB1E0  }
0x21: {  	v5 =	vld [tilespmem:s7+$0x0]  }
0x22: {  	v4 =	vld [tilespmem:s7+$0x10]  }
0x23: {  	v3 =	vld [tilespmem:s7+$0x20]  }
0x24: {  	s8 =	simm.s32 $0x140;
	v2 =	vld [tilespmem:s7+$0x30]  }
.LBB2_2:
0x25: {  	p0 =	sne.s32 s8, $0x13740;
	v6 =	vld [tilespmem:s7+$0x40]  }
0x26: {  	v5 =	vadd.s32 v0, v5  }
.Ltmp0:
0x27: {  	s10 =	sshra.s32 s8, $0x2;
	[tilespmem:s7+$0x0] =	vst v5;
	v4 =	vadd.s32 v0, v4;
	(pc) =	sbr.rel @p0 .LBB2_2-.Ltmp0, $4  }
0x28: {  	v5 =	vld [tilespmem:s10+$0x0];
	[tilespmem:s7+$0x10] =	vst v4;
	v3 =	vadd.s32 v0, v3  }
0x29: {  	v4 =	vld [tilespmem:s10+$0x10];
	[tilespmem:s7+$0x20] =	vst v3;
	v2 =	vadd.s32 v0, v2  }
0x2a: {  	v3 =	vld [tilespmem:s10+$0x20];
	[tilespmem:s7+$0x30] =	vst v2;
	v6 =	vadd.s32 v0, v6  }
0x2b: {  	s8 =	sadd.s32 $0x140, s8;
	v2 =	vld [tilespmem:s10+$0x30];
	[tilespmem:s7+$0x40] =	vst v6;
	s7 =	smov.u32 s10  }
0x2c: {  	v6 =	vld [tilespmem:s7+$0x40]  }
0x2d: {  	v5 =	vadd.s32 v0, v5  }
0x2e: {  	[tilespmem:s7+$0x0] =	vst v5;
	v4 =	vadd.s32 v0, v4  }
0x2f: {  	[tilespmem:s7+$0x10] =	vst v4;
	v3 =	vadd.s32 v0, v3  }
0x30: {  	[tilespmem:s7+$0x20] =	vst v3;
	v2 =	vadd.s32 v0, v2  }
0x31: {  	[tilespmem:s7+$0x30] =	vst v2;
	v2 =	vadd.s32 v0, v6  }
0x32: {  	s14 =	simm.s32 $0x0;
	[tilespmem:s7+$0x40] =	vst v2  }
0x33: {  	[tilespmem:s24], [sflag:$0x1] =	stream.indirect.gather [hbm4b:s4+s23], $0x40, s14, s23, $0xb8;
	[tilespmem:$0x1A040] =	vst v63  }
0x34: {  	_ = 	snop  }
0x35: {  	[tilespmem:s25], [sflag:$0x3] =	stream.linear.gather [hbm4b:s9+s14], $0x1400, $0x38;
	[tilespmem:$0x1A040] =	vst v63  }
0x36: {  	_ = 	snop  }
0x37: {  	[tilespmem:s26], [sflag:$0x2] =	stream.indirect.gather [hbm4b:s4+s23], $0x40, s23, s23, $0xb8;
	[tilespmem:$0x1A040] =	vst v63  }
0x38: {  	s8 =	rddreg [dreg:$0x7]  }
0x39: {  	[tilespmem:s28], [sflag:$0x4] =	stream.linear.gather [hbm4b:s8+s14], $0x1400, $0x38;
	[tilespmem:$0x1A040] =	vst v63  }
0x3a: {  	s7 =	simm.s32 $0x0;
	s8 =	simm.s32 $0x100  }
.LBB2_4:
0x3b: {  	p0 =	sne.s32 s8, $0x4F00;
	[tilespmem:s7+$0xEC70] =	vst v1;
	s10 =	smov.u32 s8;
	s8 =	sadd.s32 $0x100, s8  }
.Ltmp1:
0x3c: {  	[tilespmem:s7+$0xEC60] =	vst v1;
	(pc) =	sbr.rel @p0 .LBB2_4-.Ltmp1, $3  }
0x3d: {  	[tilespmem:s7+$0xEC40] =	vst v1  }
0x3e: {  	[tilespmem:s7+$0xEC50] =	vst v1;
	_ =	sdelay $0x1  }
0x3f: {  	s7 =	sshra.s32 s10, $0x2  }
0x40: {  	[tilespmem:s7+$0xEC70] =	vst v1  }
0x41: {  	[tilespmem:s7+$0xEC60] =	vst v1  }
0x42: {  	[tilespmem:s7+$0xEC40] =	vst v1  }
0x43: {  	[tilespmem:s7+$0xEC50] =	vst v1  }
0x44: {  	[spmem:s11] =	stream.linear.scatter [tilespmem:s29], [sflag:$0x5], $0x1400, $0x38;
	[tilespmem:$0x1A040] =	vst v63  }
0x45: {  	_ =	swait.ge [sflag:s21], $0x1400  }
0x46: {  	[sflag:s21] =	ssyncset.done $0x0  }
0x47: {  	s12 =	rddreg [dreg:$0x8];
	[sflag:s21] =	ssyncadd.s32 $0xFFFFEC00  }
0x48: {  	[spmem:s12] =	stream.linear.scatter [tilespmem:s29], [sflag:$0x5], $0x1400, $0x38;
	[tilespmem:$0x1A040] =	vst v63  }
0x49: {  	_ =	swait.ge [sflag:s21], $0x1400  }
0x4a: {  	[sflag:s21] =	ssyncset.done $0x0  }
0x4b: {  	s13 =	rddreg [dreg:$0x9];
	[sflag:s21] =	ssyncadd.s32 $0xFFFFEC00  }
0x4c: {  	[spmem:s13] =	stream.linear.scatter [tilespmem:s29], [sflag:$0x5], $0x1400, $0x38;
	[tilespmem:$0x1A040] =	vst v63  }
0x4d: {  	_ =	swait.ge [sflag:s21], $0x1400  }
0x4e: {  	[sflag:s21] =	ssyncset.done $0x0  }
0x4f: {  	s14 =	rddreg [dreg:$0xa];
	[sflag:s21] =	ssyncadd.s32 $0xFFFFEC00  }
0x50: {  	[spmem:s14] =	stream.linear.scatter [tilespmem:s29], [sflag:$0x5], $0x1400, $0x38;
	[tilespmem:$0x1A040] =	vst v63  }
0x51: {  	_ =	swait.ge [sflag:s21], $0x1400  }
0x52: {  	[sflag:s21] =	ssyncset.done $0x0  }
0x53: {  	[sflag:s21] =	ssyncadd.s32 $0xFFFFEC00  }
0x54: {  	[spmem:s15] =	stream.linear.scatter [tilespmem:s29], [sflag:$0x5], $0x1400, $0x38;
	[tilespmem:$0x1A040] =	vst v63  }
0x55: {  	_ =	swait.ge [sflag:s21], $0x1400  }
0x56: {  	[sflag:s21] =	ssyncset.done $0x0  }
0x57: {  	[sflag:s21] =	ssyncadd.s32 $0xFFFFEC00  }
0x58: {  	[spmem:s16] =	stream.linear.scatter [tilespmem:s29], [sflag:$0x5], $0x1400, $0x38;
	[tilespmem:$0x1A040] =	vst v63  }
0x59: {  	_ =	swait.ge [sflag:s21], $0x1400  }
0x5a: {  	[sflag:s21] =	ssyncset.done $0x0  }
0x5b: {  	[sflag:s21] =	ssyncadd.s32 $0xFFFFEC00  }
0x5c: {  	[spmem:s17] =	stream.linear.scatter [tilespmem:s29], [sflag:$0x5], $0x1400, $0x38;
	[tilespmem:$0x1A040] =	vst v63  }
0x5d: {  	_ =	swait.ge [sflag:s21], $0x1400  }
0x5e: {  	[sflag:s21] =	ssyncset.done $0x0  }
0x5f: {  	[sflag:s21] =	ssyncadd.s32 $0xFFFFEC00  }
0x60: {  	[spmem:s18] =	stream.linear.scatter [tilespmem:s29], [sflag:$0x5], $0x1400, $0x38;
	[tilespmem:$0x1A040] =	vst v63  }
0x61: {  	_ =	swait.ge [sflag:s21], $0x1400  }
0x62: {  	[sflag:s21] =	ssyncset.done $0x0  }
0x63: {  	[sflag:s21] =	ssyncadd.s32 $0xFFFFEC00  }
0x64: {  	s7 =	simm.s32 $0x0;
	[bflag:$0x0] =	sbarrier.arrive $0xFFFF  }
.LBB2_6:
0x65: {  	_ =	swait.ge [sflag:s30], $0x1400  }
0x66: {  	[sflag:s30] =	ssyncset.done $0x0  }
0x67: {  	[sflag:s30] =	ssyncadd.s32 $0xFFFFEC00  }
0x68: {  	_ =	swait.ge [sflag:s31], $0x1400  }
0x69: {  	[sflag:s31] =	ssyncset.done $0x0  }
0x6a: {  	s8 =	simm.s32 $0x0;
	[sflag:s31] =	ssyncadd.s32 $0xFFFFEC00  }
0x6b: {  	v7 =	vld [tilespmem:s8+$0xC440]  }
0x6c: {  	v8 =	vld [tilespmem:s8+$0xC450]  }
0x6d: {  	v3 =	vld [tilespmem:s8+$0xC460]  }
0x6e: {  	v2 =	vld [tilespmem:s8+$0xC470]  }
0x6f: {  	v4 =	vld [tilespmem:s8+$0x9C40]  }
0x70: {  	v6 =	vld [tilespmem:s8+$0x9C50]  }
0x71: {  	s10 =	simm.s32 $0x100;
	v5 =	vld [tilespmem:s8+$0x9C60]  }
.LBB2_7:
0x72: {  	s12 =	sshra.s32 s10, $0x2;
	p0 =	sne.s32 s10, $0x4F00;
	v9 =	vld [tilespmem:s8+$0x9C70];
	v10 =	vmov v3  }
0x73: {  	v11 =	vld [tilespmem:s12+$0xC440];
	v12 =	vmov v2  }
0x74: {  	v13 =	vld [tilespmem:s12+$0xC450];
	v4 =	vmul.f32 v7, v4  }
.Ltmp2:
0x75: {  	v3 =	vld [tilespmem:s12+$0xC460];
	v6 =	vmul.f32 v8, v6;
	(pc) =	sbr.rel @p0 .LBB2_7-.Ltmp2, $4  }
0x76: {  	v2 =	vld [tilespmem:s12+$0xC470];
	[tilespmem:s8+$0x9C40] =	vst v4;
	v5 =	vmul.f32 v10, v5  }
0x77: {  	v4 =	vld [tilespmem:s12+$0x9C40];
	[tilespmem:s8+$0x9C50] =	vst v6;
	v9 =	vmul.f32 v12, v9  }
0x78: {  	v6 =	vld [tilespmem:s12+$0x9C50];
	[tilespmem:s8+$0x9C60] =	vst v5;
	v7 =	vmov v11  }
0x79: {  	s10 =	sadd.s32 $0x100, s10;
	v5 =	vld [tilespmem:s12+$0x9C60];
	[tilespmem:s8+$0x9C70] =	vst v9;
	v8 =	vmov v13;
	s8 =	smov.u32 s12  }
0x7a: {  	v9 =	vld [tilespmem:s8+$0x9C70];
	_ =	sdelay $0x1  }
0x7b: {  	v4 =	vmul.f32 v7, v4  }
0x7c: {  	v6 =	vmul.f32 v8, v6  }
0x7d: {  	s10 =	smul.u32 $0x280, s7;
	[tilespmem:s8+$0x9C40] =	vst v4;
	v3 =	vmul.f32 v3, v5  }
0x7e: {  	[tilespmem:s8+$0x9C50] =	vst v6;
	v2 =	vmul.f32 v2, v9  }
0x7f: {  	s10 =	sshra.s32 s10, $0x2;
	[tilespmem:s8+$0x9C60] =	vst v3  }
0x80: {  	s12 =	sadd.s32 $0x4E20, s10;
	[tilespmem:s8+$0x9C70] =	vst v2;
	s8 =	sshll.u32 s7, $0x1  }
0x81: {  	[spmem:s2] =	stream.indirect.scatter.add.f32 [tilespmem:s24], [sflag:$0x5], $0x40, s12, s23, $0xb8;
	[tilespmem:$0x1A040] =	vst v63  }
0x82: {  	s14 =	sadd.s32 $0x2, s8  }
0x83: {  	s13 =	smul.u32 $0x140, s14  }
0x84: {  	_ =	swait.ge [sflag:s21], $0x1400;
	s12 =	smul.u32 $0x1400, s14  }
0x85: {  	[sflag:s21] =	ssyncset.done $0x0  }
0x86: {  	[sflag:s21] =	ssyncadd.s32 $0xFFFFEC00;
	s13 =	sshra.s32 s13, $0x2;
	s12 =	sadd.s32 s6, s12  }
0x87: {  	[tilespmem:s24], [sflag:$0x1] =	stream.indirect.gather [hbm4b:s4+s23], $0x40, s13, s23, $0xb8;
	[tilespmem:$0x1A040] =	vst v63  }
0x88: {  	s12 =	sshrl.u32 s12, $0x3  }
0x89: {  	s14 =	simm.s32 $0x0;
	s12 =	sadd.s32 s5, s12  }
0x8a: {  	[tilespmem:s25], [sflag:$0x3] =	stream.linear.gather [hbm4b:s12+s14], $0x1400, $0x38;
	[tilespmem:$0x1A040] =	vst v63  }
0x8b: {  	_ =	swait.ge [sflag:s0], $0x1400  }
0x8c: {  	[sflag:s0] =	ssyncset.done $0x0  }
0x8d: {  	[sflag:s0] =	ssyncadd.s32 $0xFFFFEC00  }
0x8e: {  	_ =	swait.ge [sflag:s22], $0x1400  }
0x8f: {  	[sflag:s22] =	ssyncset.done $0x0  }
0x90: {  	s12 =	simm.s32 $0x0;
	[sflag:s22] =	ssyncadd.s32 $0xFFFFEC00  }
0x91: {  	v7 =	vld [tilespmem:s12+$0xD840]  }
0x92: {  	v8 =	vld [tilespmem:s12+$0xD850]  }
0x93: {  	v3 =	vld [tilespmem:s12+$0xD860]  }
0x94: {  	v2 =	vld [tilespmem:s12+$0xD870]  }
0x95: {  	v4 =	vld [tilespmem:s12+$0xB040]  }
0x96: {  	v6 =	vld [tilespmem:s12+$0xB050]  }
0x97: {  	s13 =	simm.s32 $0x100;
	v5 =	vld [tilespmem:s12+$0xB060]  }
.LBB2_9:
0x98: {  	s14 =	sshra.s32 s13, $0x2;
	p0 =	sne.s32 s13, $0x4F00;
	v9 =	vld [tilespmem:s12+$0xB070];
	v10 =	vmov v3  }
0x99: {  	v11 =	vld [tilespmem:s14+$0xD840];
	v12 =	vmov v2  }
0x9a: {  	v13 =	vld [tilespmem:s14+$0xD850];
	v4 =	vmul.f32 v7, v4  }
.Ltmp3:
0x9b: {  	v3 =	vld [tilespmem:s14+$0xD860];
	v6 =	vmul.f32 v8, v6;
	(pc) =	sbr.rel @p0 .LBB2_9-.Ltmp3, $4  }
0x9c: {  	v2 =	vld [tilespmem:s14+$0xD870];
	[tilespmem:s12+$0xB040] =	vst v4;
	v5 =	vmul.f32 v10, v5  }
0x9d: {  	v4 =	vld [tilespmem:s14+$0xB040];
	[tilespmem:s12+$0xB050] =	vst v6;
	v9 =	vmul.f32 v12, v9  }
0x9e: {  	v6 =	vld [tilespmem:s14+$0xB050];
	[tilespmem:s12+$0xB060] =	vst v5;
	v7 =	vmov v11  }
0x9f: {  	s13 =	sadd.s32 $0x100, s13;
	v5 =	vld [tilespmem:s14+$0xB060];
	[tilespmem:s12+$0xB070] =	vst v9;
	v8 =	vmov v13;
	s12 =	smov.u32 s14  }
0xa0: {  	v9 =	vld [tilespmem:s12+$0xB070];
	_ =	sdelay $0x1  }
0xa1: {  	v4 =	vmul.f32 v7, v4  }
0xa2: {  	v6 =	vmul.f32 v8, v6  }
0xa3: {  	[tilespmem:s12+$0xB040] =	vst v4;
	v3 =	vmul.f32 v3, v5  }
0xa4: {  	s8 =	sadd.s32 $0x3, s8;
	[tilespmem:s12+$0xB050] =	vst v6;
	v2 =	vmul.f32 v2, v9  }
0xa5: {  	s14 =	smul.u32 $0x140, s8;
	[tilespmem:s12+$0xB060] =	vst v3  }
0xa6: {  	s10 =	sadd.s32 $0x4E70, s10;
	s7 =	sadd.s32 $0x1, s7;
	s8 =	smul.u32 $0x1400, s8;
	[tilespmem:s12+$0xB070] =	vst v2  }
0xa7: {  	[spmem:s2] =	stream.indirect.scatter.add.f32 [tilespmem:s26], [sflag:$0x5], $0x40, s10, s23, $0xb8;
	[tilespmem:$0x1A040] =	vst v63  }
0xa8: {  	p0 =	sne.s32 s7, $0x7C;
	_ =	swait.ge [sflag:s21], $0x1400  }
.Ltmp4:
0xa9: {  	s8 =	sadd.s32 s6, s8;
	[sflag:s21] =	ssyncset.done $0x0;
	(pc) =	sbr.rel @p0 .LBB2_6-.Ltmp4, $4  }
0xaa: {  	s8 =	sshrl.u32 s8, $0x3;
	s10 =	sshra.s32 s14, $0x2;
	[sflag:s21] =	ssyncadd.s32 $0xFFFFEC00  }
0xab: {  	[tilespmem:s26], [sflag:$0x2] =	stream.indirect.gather [hbm4b:s4+s23], $0x40, s10, s23, $0xb8;
	[tilespmem:$0x1A040] =	vst v63  }
0xac: {  	s8 =	sadd.s32 s5, s8  }
0xad: {  	[tilespmem:s28], [sflag:$0x4] =	stream.linear.gather [hbm4b:s8+s3], $0x1400, $0x38;
	[tilespmem:$0x1A040] =	vst v63  }
0xae: {  	_ =	swait.ge [sflag:s30], $0x1400  }
0xaf: {  	[sflag:s30] =	ssyncset.done $0x0  }
0xb0: {  	[sflag:s30] =	ssyncadd.s32 $0xFFFFEC00  }
0xb1: {  	_ =	swait.ge [sflag:s31], $0x1400  }
0xb2: {  	[sflag:s31] =	ssyncset.done $0x0  }
0xb3: {  	s7 =	simm.s32 $0x0;
	[sflag:s31] =	ssyncadd.s32 $0xFFFFEC00  }
0xb4: {  	v7 =	vld [tilespmem:s7+$0xC440]  }
0xb5: {  	v8 =	vld [tilespmem:s7+$0xC450]  }
0xb6: {  	v3 =	vld [tilespmem:s7+$0xC460]  }
0xb7: {  	v2 =	vld [tilespmem:s7+$0xC470]  }
0xb8: {  	v4 =	vld [tilespmem:s7+$0x9C40]  }
0xb9: {  	v6 =	vld [tilespmem:s7+$0x9C50]  }
0xba: {  	s8 =	simm.s32 $0x100;
	v5 =	vld [tilespmem:s7+$0x9C60]  }
.LBB2_12:
0xbb: {  	s10 =	sshra.s32 s8, $0x2;
	p0 =	sne.s32 s8, $0x4F00;
	v9 =	vld [tilespmem:s7+$0x9C70];
	v10 =	vmov v3  }
0xbc: {  	v11 =	vld [tilespmem:s10+$0xC440];
	v12 =	vmov v2  }
0xbd: {  	v13 =	vld [tilespmem:s10+$0xC450];
	v4 =	vmul.f32 v7, v4  }
.Ltmp5:
0xbe: {  	v3 =	vld [tilespmem:s10+$0xC460];
	v6 =	vmul.f32 v8, v6;
	(pc) =	sbr.rel @p0 .LBB2_12-.Ltmp5, $4  }
0xbf: {  	v2 =	vld [tilespmem:s10+$0xC470];
	[tilespmem:s7+$0x9C40] =	vst v4;
	v5 =	vmul.f32 v10, v5  }
0xc0: {  	v4 =	vld [tilespmem:s10+$0x9C40];
	[tilespmem:s7+$0x9C50] =	vst v6;
	v9 =	vmul.f32 v12, v9  }
0xc1: {  	v6 =	vld [tilespmem:s10+$0x9C50];
	[tilespmem:s7+$0x9C60] =	vst v5;
	v7 =	vmov v11  }
0xc2: {  	s8 =	sadd.s32 $0x100, s8;
	v5 =	vld [tilespmem:s10+$0x9C60];
	[tilespmem:s7+$0x9C70] =	vst v9;
	v8 =	vmov v13;
	s7 =	smov.u32 s10  }
0xc3: {  	v9 =	vld [tilespmem:s7+$0x9C70];
	_ =	sdelay $0x1  }
0xc4: {  	v4 =	vmul.f32 v7, v4  }
0xc5: {  	v6 =	vmul.f32 v8, v6  }
0xc6: {  	[tilespmem:s7+$0x9C40] =	vst v4;
	v3 =	vmul.f32 v3, v5  }
0xc7: {  	[tilespmem:s7+$0x9C50] =	vst v6;
	v2 =	vmul.f32 v2, v9  }
0xc8: {  	[tilespmem:s7+$0x9C60] =	vst v3  }
0xc9: {  	s14 =	simm.s32 $0x9BA0;
	[tilespmem:s7+$0x9C70] =	vst v2  }
0xca: {  	[spmem:s2] =	stream.indirect.scatter.add.f32 [tilespmem:s24], [sflag:$0x5], $0x40, s14, s23, $0xb8;
	[tilespmem:$0x1A040] =	vst v63  }
0xcb: {  	_ =	swait.ge [sflag:s21], $0x1400  }
0xcc: {  	[sflag:s21] =	ssyncset.done $0x0  }
0xcd: {  	[sflag:s21] =	ssyncadd.s32 $0xFFFFEC00  }
0xce: {  	_ =	swait.ge [sflag:s0], $0x1400  }
0xcf: {  	[sflag:s0] =	ssyncset.done $0x0  }
0xd0: {  	[sflag:s0] =	ssyncadd.s32 $0xFFFFEC00  }
0xd1: {  	_ =	swait.ge [sflag:s22], $0x1400  }
0xd2: {  	[sflag:s22] =	ssyncset.done $0x0  }
0xd3: {  	s7 =	simm.s32 $0x0;
	[sflag:s22] =	ssyncadd.s32 $0xFFFFEC00  }
0xd4: {  	v7 =	vld [tilespmem:s7+$0xD840]  }
0xd5: {  	v8 =	vld [tilespmem:s7+$0xD850]  }
0xd6: {  	v3 =	vld [tilespmem:s7+$0xD860]  }
0xd7: {  	v2 =	vld [tilespmem:s7+$0xD870]  }
0xd8: {  	v4 =	vld [tilespmem:s7+$0xB040]  }
0xd9: {  	v6 =	vld [tilespmem:s7+$0xB050]  }
0xda: {  	s8 =	simm.s32 $0x100;
	v5 =	vld [tilespmem:s7+$0xB060]  }
.LBB2_14:
0xdb: {  	s10 =	sshra.s32 s8, $0x2;
	p0 =	sne.s32 s8, $0x4F00;
	v9 =	vld [tilespmem:s7+$0xB070];
	v10 =	vmov v3  }
0xdc: {  	v11 =	vld [tilespmem:s10+$0xD840];
	v12 =	vmov v2  }
0xdd: {  	v13 =	vld [tilespmem:s10+$0xD850];
	v4 =	vmul.f32 v7, v4  }
.Ltmp6:
0xde: {  	v3 =	vld [tilespmem:s10+$0xD860];
	v6 =	vmul.f32 v8, v6;
	(pc) =	sbr.rel @p0 .LBB2_14-.Ltmp6, $4  }
0xdf: {  	v2 =	vld [tilespmem:s10+$0xD870];
	[tilespmem:s7+$0xB040] =	vst v4;
	v5 =	vmul.f32 v10, v5  }
0xe0: {  	v4 =	vld [tilespmem:s10+$0xB040];
	[tilespmem:s7+$0xB050] =	vst v6;
	v9 =	vmul.f32 v12, v9  }
0xe1: {  	v6 =	vld [tilespmem:s10+$0xB050];
	[tilespmem:s7+$0xB060] =	vst v5;
	v7 =	vmov v11  }
0xe2: {  	s8 =	sadd.s32 $0x100, s8;
	v5 =	vld [tilespmem:s10+$0xB060];
	[tilespmem:s7+$0xB070] =	vst v9;
	v8 =	vmov v13;
	s7 =	smov.u32 s10  }
0xe3: {  	v9 =	vld [tilespmem:s7+$0xB070];
	_ =	sdelay $0x1  }
0xe4: {  	v4 =	vmul.f32 v7, v4  }
0xe5: {  	v6 =	vmul.f32 v8, v6  }
0xe6: {  	[tilespmem:s7+$0xB040] =	vst v4;
	v3 =	vmul.f32 v3, v5  }
0xe7: {  	[tilespmem:s7+$0xB050] =	vst v6;
	v2 =	vmul.f32 v2, v9  }
0xe8: {  	[tilespmem:s7+$0xB060] =	vst v3  }
0xe9: {  	s13 =	simm.s32 $0x9BF0;
	[tilespmem:s7+$0xB070] =	vst v2  }
0xea: {  	[spmem:s2] =	stream.indirect.scatter.add.f32 [tilespmem:s26], [sflag:$0x5], $0x40, s13, s23, $0xb8;
	[tilespmem:$0x1A040] =	vst v63  }
0xeb: {  	s14 =	stileid.u32;
	_ =	swait.ge [sflag:s21], $0x1400  }
0xec: {  	s8 =	sshrl.u32 s11, $0x3;
	s1 =	sadd.s32 $0x1, s1;
	[sflag:s21] =	ssyncset.done $0x0  }
0xed: {  	p0 =	sne.s32 s1, s20;
	s7 =	sshll.u32 s14, $0x6;
	[sflag:s21] =	ssyncadd.s32 $0xFFFFEC00  }
.Ltmp7:
0xee: {  	s7 =	sor.u32 $0x1C05, s7;
	[bflag:$0x0] =	sbarrier.arrive $0xFFFF;
	(pc) =	sbr.rel @p0 .LBB2_1-.Ltmp7, $4  }
0xef: {  	[hbm:s19], [sflag:s7] =	dma.local [spmem:s8], $0x1400  }
0xf0: {  	_ =	swait.ge [sflag:s21], $0x1400  }
0xf1: {  	[sflag:s21] =	ssyncset.done $0x0  }
0xf2: {  	[sflag:s21] =	ssyncadd.s32 $0xFFFFEC00  }
0xf3: {  	_ =	sfence.sel $0x180000  }
0xf4: {  	[bflag:$0x0] =	sbarrier.arrive $0xFFFF  }
0xf5: {  	_ =	strace $0x90000047  }
0xf6: {  	s0 =	stileid.u32;
	[bflag:$0x2] =	sbarrier.arrive $0xFFFF  }
0xf7: {  	p0 =	sne.s32 s0, $0x0;
	s0 =	rddreg [dreg:$0x4]  }
0xf8: {  	s0 =	sadd.s32 @!p0 $0x100000, s0  }
0xf9: {  	[sflag:s0] =	ssyncadd.tile.s32 @!p0 $0x1;
	_ =	shalt  }
.Lfunc_end2:
_tile_overlayer_lowered:
.L_overlay_start_2:
0xfa: {  	(tag) =	ssettag $0x2  }
0xfb: {  	s0 =	rddreg [dreg:$0x0];
	s2 =	stileid.u32  }
0xfc: {  	s1 =	rddreg [dreg:$0x1];
	p0 =	sne.s32 s2, $0x0  }
0xfd: {  	s3 =	rddreg [dreg:$0x2];
	[bflag:$0x3] =	sbarrier.arrive $0xFFFF;
	s2 =	simm.s32 @!p0 $0x1C05  }
0xfe: {  	[timem:s3], [sflag:s2] =	dma.local @!p0 [hbm:s0], s1  }
0xff: {  	s0 =	simm.s32 @!p0 $0x5  }
0x100: {  	_ =	swait.ge @!p0 [sflag:s0], s1  }
0x101: {  	s1 =	ssub.s32 @!p0 $0x0, s1;
	[sflag:s0] =	ssyncset.done @!p0 $0x0  }
0x102: {  	[sflag:s0] =	ssyncadd.s32 @!p0 s1  }
0x103: {  	[bflag:$0x3] =	sbarrier.arrive $0xFFFF  }
0x104: {  	_ =	shalt  }

</sc_bundles>
